<compile_context>
chip_gen: v7x
topology: tpu7x:2x2x1
jax: 0.10.2.dev20260603
libtpu: 0.0.44.dev20260713+nightly
codegen_flags: <defaults>
</compile_context>

<pallas_src>
import functools

import jax
import jax.numpy as jnp
from jax import lax
from jax.experimental import pallas as pl
from jax.experimental.pallas import tpu as pltpu
from jax.experimental.pallas import tpu_sc as plsc

ROWS = 1024
COLS = 100000
K = 200

NC, NS, L = 2, 16, 16
NW = NC * NS
CHUNK = 128
NCG = 8
NKG = 4
K_START = (0, 56, 104, 152)
K_MAX = 56

_mesh = plsc.VectorSubcoreMesh(core_axis_name="c", subcore_axis_name="s")


@functools.partial(
    pl.kernel,
    mesh=_mesh,
    out_type=jax.ShapeDtypeStruct((K, ROWS), jnp.float32),
    compiler_params=pltpu.CompilerParams(disable_bounds_checks=True),
    scratch_types=[
        pltpu.VMEM((K_MAX, CHUNK), jnp.int32),
        pltpu.VMEM((K_MAX, CHUNK), jnp.int32),
        pltpu.VMEM((K_MAX, CHUNK), jnp.float32),
        pltpu.SemaphoreType.DMA,
        pltpu.SemaphoreType.DMA,
    ],
)
def _sc_gather(xt_hbm, idx_hbm, out_hbm, idx_v, gidx_v, vals_v, sem, isem):
    wid = lax.axis_index("s") * NC + lax.axis_index("c")
    cg = wid & (NCG - 1)
    kg = wid >> 3
    k0 = (kg > 0) * 8 + kg * 48
    klen = jnp.where(kg == 0, K_MAX, 48)
    nblk = klen >> 3

    @pl.loop(0, nblk)
    def _(g):
        pltpu.async_copy(
            idx_hbm.at[pl.ds(k0 + g * 8, 8), pl.ds(cg * CHUNK, CHUNK)],
            idx_v.at[pl.ds(g * 8, 8)],
            isem,
        )

    lanes = lax.broadcasted_iota(jnp.int32, (L,), 0)

    x_flat = xt_hbm.at[0, pl.ds(0, CHUNK)]

    @pl.loop(0, nblk)
    def _(g):
        pltpu.make_async_copy(
            idx_hbm.at[pl.ds(k0 + g * 8, 8), pl.ds(cg * CHUNK, CHUNK)],
            idx_v.at[pl.ds(g * 8, 8)],
            isem,
        ).wait()

        @pl.loop(g * 8, g * 8 + 8)
        def _(r):
            for c in range(CHUNK // L):
                icontrib = cg * 1024 + c * L + lanes
                j = idx_v[r, pl.ds(c * L, L)]
                gidx_v[r, pl.ds(c * L, L)] = (
                    ((j >> 3) << 13) + ((j & 7) << 7) + icontrib
                )
            pltpu.async_copy(x_flat.at[gidx_v.at[r]], vals_v.at[r], sem)

    pltpu.make_async_copy(
        xt_hbm.at[pl.ds(0, 48), pl.ds(0, CHUNK)],
        vals_v.at[pl.ds(0, 48)],
        sem,
    ).wait()

    @pl.when(kg == 0)
    def _():
        pltpu.make_async_copy(
            xt_hbm.at[pl.ds(48, 8), pl.ds(0, CHUNK)],
            vals_v.at[pl.ds(48, 8)],
            sem,
        ).wait()

    pltpu.sync_copy(
        vals_v.at[pl.ds(0, 48)],
        out_hbm.at[pl.ds(k0, 48), pl.ds(cg * CHUNK, CHUNK)],
    )

    @pl.when(kg == 0)
    def _():
        pltpu.sync_copy(
            vals_v.at[pl.ds(48, 8)],
            out_hbm.at[pl.ds(48, 8), pl.ds(cg * CHUNK, CHUNK)],
        )


def kernel(x, indices):
    out = _sc_gather(x.T, indices.T)
    return out.T

# --- scband reference (transcript-rebuilt; emitter-appended) ---
"""Pipeline reference for scband-torch-gather-17334488007246 (READ-ONLY COPY).

The authoritative reference and input builder live on the scoring server;
editing this copy changes nothing except your own understanding.
"""

import jax, jax.numpy as jnp
import numpy as np


def setup_inputs(seed: int = 0) -> dict:
    key = jax.random.key(seed)
    k1, k2 = jax.random.split(key)
    x = jax.random.normal(k1, (1024, 100000), dtype=jnp.float32)
    # int32 used to avoid requiring jax x64 mode; values in [0, 100000)
    indices = jax.random.randint(k2, (1024, 200), 0, 100000, dtype=jnp.int32)
    return {"x": x, "indices": indices}


def reference(x, indices):
    # torch.gather(x, 1, indices): out[i, j] = x[i, indices[i, j]]
    out = jnp.take_along_axis(x, indices, axis=1)
    return out

if __name__ == "__main__":
    import jax
    _d = setup_inputs()
    print(jax.jit(kernel)(*tuple(_d.values())))

</pallas_src>

<mosaic_0001>
#map = affine_map<(d0, d1) -> (0, 0)>
module attributes {stable_mosaic.version = 14 : i64} {
  func.func @_sc_gather(%arg0: i32, %arg1: i32, %arg2: memref<100000x1024xf32, #tpu.memory_space<hbm>>, %arg3: memref<200x1024xi32, #tpu.memory_space<hbm>>, %arg4: memref<200x1024xf32, #tpu.memory_space<hbm>>, %arg5: memref<56x128xi32, #tpu.memory_space<vmem>>, %arg6: memref<56x128xi32, #tpu.memory_space<vmem>>, %arg7: memref<56x128xf32, #tpu.memory_space<vmem>>, %arg8: memref<!tpu.dma_semaphore, #tpu.memory_space<semaphore_mem>>, %arg9: memref<!tpu.dma_semaphore, #tpu.memory_space<semaphore_mem>>) attributes {dimension_semantics = [#tpu.dimension_semantics<core_parallel>, #tpu.dimension_semantics<subcore_parallel>], iteration_bounds = array<i64: 2, 16>, scalar_prefetch = 0 : i64, scratch_operands = 5 : i64, tpu.core_type = #tpu.core_type<sc_vector_subcore>, window_params = [{transform_indices = #map}, {transform_indices = #map}, {transform_indices = #map}]} {
    %mul3A = arith.constant 2 : i32
    %mul3A_0 = arith.muli %arg1, %mul3A : i32
    %add3A = arith.addi %mul3A_0, %arg0 : i32
    %and3A = arith.constant 7 : i32
    %and3A_1 = arith.andi %add3A, %and3A : i32
    %shift_right_arithmetic3A = arith.constant 3 : i32
    %shift_right_arithmetic3A_2 = arith.shrsi %add3A, %shift_right_arithmetic3A : i32
    %gt3A = arith.constant 0 : i32
    %gt3A_3 = arith.cmpi sgt, %shift_right_arithmetic3A_2, %gt3A : i32
    %convert_element_type3A = arith.extui %gt3A_3 : i1 to i32
    %mul3A_4 = arith.constant 8 : i32
    %mul3A_5 = arith.muli %convert_element_type3A, %mul3A_4 : i32
    %mul3A_6 = arith.constant 48 : i32
    %mul3A_7 = arith.muli %shift_right_arithmetic3A_2, %mul3A_6 : i32
    %add3A_8 = arith.addi %mul3A_5, %mul3A_7 : i32
    %eq3A = arith.constant 0 : i32
    %eq3A_9 = arith.cmpi eq, %shift_right_arithmetic3A_2, %eq3A : i32
    %jit3A = arith.constant 56 : i32
    %jit3A_10 = arith.constant 48 : i32
    %select_n3A = arith.select %eq3A_9, %jit3A, %jit3A_10 : i32
    %shift_right_arithmetic3A_11 = arith.constant 3 : i32
    %shift_right_arithmetic3A_12 = arith.shrsi %select_n3A, %shift_right_arithmetic3A_11 : i32
    %sub3A = arith.constant 0 : i32
    %sub3A_13 = arith.subi %shift_right_arithmetic3A_12, %sub3A : i32
    %sub3A_14 = arith.constant 1 : i32
    %sub3A_15 = arith.constant 1 : i32
    %sub3A_16 = arith.subi %sub3A_14, %sub3A_15 : i32
    %add3A_17 = arith.addi %sub3A_13, %sub3A_16 : i32
    %div3A = arith.constant 1 : i32
    %div3A_18 = arith.divsi %add3A_17, %div3A : i32
    %while3A = arith.constant 1 : i32
    %while3A_19 = arith.constant 0 : i32
    %while3A_20 = arith.constant 0 : i32
    %while3A_21 = arith.subi %div3A_18, %while3A_20 : i32
    %while3A_22 = arith.addi %while3A_20, %while3A_21 : i32
    %while3A_23 = arith.constant 1 : i32
    %while3A_24 = arith.divsi %while3A_21, %while3A_23 : i32
    %while3A_25 = arith.muli %while3A_24, %while3A_23 : i32
    %while3A_26 = arith.addi %while3A_20, %while3A_25 : i32
    %while3A_27 = arith.constant 1 : i32
    scf.for %while3A_71 = %while3A_20 to %while3A_26 step %while3A_27  : i32 {
      %mul3A_72 = arith.muli %while3A_71, %while3A : i32
      %add3A_73 = arith.addi %while3A_19, %mul3A_72 : i32
      %mul3A_74 = arith.constant 8 : i32
      %mul3A_75 = arith.muli %add3A_73, %mul3A_74 : i32
      %add3A_76 = arith.addi %add3A_8, %mul3A_75 : i32
      %mul3A_77 = arith.constant 128 : i32
      %mul3A_78 = arith.muli %and3A_1, %mul3A_77 : i32
      %mul3A_79 = arith.constant 8 : i32
      %mul3A_80 = arith.muli %add3A_73, %mul3A_79 : i32
      %dma_start3A = arith.constant 0 : i32
      %dma_start3A_81 = tpu.memref_slice %arg5[%mul3A_80, %dma_start3A] : memref<56x128xi32, #tpu.memory_space<vmem>> -> memref<8x128xi32, #tpu.memory_space<vmem>>
      %dma_start3A_82 = tpu.memref_slice %arg3[%add3A_76, %mul3A_78] : memref<200x1024xi32, #tpu.memory_space<hbm>> -> memref<8x128xi32, #tpu.memory_space<hbm>>
      %dma_start3A_83 = arith.constant 0 : i32
      %dma_start3A_84 = tpu.memref_slice %arg5[%mul3A_80, %dma_start3A_83] : memref<56x128xi32, #tpu.memory_space<vmem>> -> memref<8x128xi32, #tpu.memory_space<vmem>>
      %dma_start3A_85 = tpu.memref_slice %arg3[%add3A_76, %mul3A_78] : memref<200x1024xi32, #tpu.memory_space<hbm>> -> memref<8x128xi32, #tpu.memory_space<hbm>>
      tpu.enqueue_dma source(%dma_start3A_85 : memref<8x128xi32, #tpu.memory_space<hbm>>) target(%dma_start3A_84 : memref<8x128xi32, #tpu.memory_space<vmem>>) target_semaphore(%arg9 : memref<!tpu.dma_semaphore, #tpu.memory_space<semaphore_mem>>)
    }
    %while3A_28 = arith.constant 1 : i32
    scf.for %while3A_71 = %while3A_26 to %while3A_22 step %while3A_28  : i32 {
      %mul3A_72 = arith.muli %while3A_71, %while3A : i32
      %add3A_73 = arith.addi %while3A_19, %mul3A_72 : i32
      %mul3A_74 = arith.constant 8 : i32
      %mul3A_75 = arith.muli %add3A_73, %mul3A_74 : i32
      %add3A_76 = arith.addi %add3A_8, %mul3A_75 : i32
      %mul3A_77 = arith.constant 128 : i32
      %mul3A_78 = arith.muli %and3A_1, %mul3A_77 : i32
      %mul3A_79 = arith.constant 8 : i32
      %mul3A_80 = arith.muli %add3A_73, %mul3A_79 : i32
      %dma_start3A = arith.constant 0 : i32
      %dma_start3A_81 = tpu.memref_slice %arg5[%mul3A_80, %dma_start3A] : memref<56x128xi32, #tpu.memory_space<vmem>> -> memref<8x128xi32, #tpu.memory_space<vmem>>
      %dma_start3A_82 = tpu.memref_slice %arg3[%add3A_76, %mul3A_78] : memref<200x1024xi32, #tpu.memory_space<hbm>> -> memref<8x128xi32, #tpu.memory_space<hbm>>
      %dma_start3A_83 = arith.constant 0 : i32
      %dma_start3A_84 = tpu.memref_slice %arg5[%mul3A_80, %dma_start3A_83] : memref<56x128xi32, #tpu.memory_space<vmem>> -> memref<8x128xi32, #tpu.memory_space<vmem>>
      %dma_start3A_85 = tpu.memref_slice %arg3[%add3A_76, %mul3A_78] : memref<200x1024xi32, #tpu.memory_space<hbm>> -> memref<8x128xi32, #tpu.memory_space<hbm>>
      tpu.enqueue_dma source(%dma_start3A_85 : memref<8x128xi32, #tpu.memory_space<hbm>>) target(%dma_start3A_84 : memref<8x128xi32, #tpu.memory_space<vmem>>) target_semaphore(%arg9 : memref<!tpu.dma_semaphore, #tpu.memory_space<semaphore_mem>>)
    }
    %iota3A = tpu.iota {dimensions = array<i32: 0>} : vector<16xi32>
    %sub3A_29 = arith.constant 0 : i32
    %sub3A_30 = arith.subi %shift_right_arithmetic3A_12, %sub3A_29 : i32
    %sub3A_31 = arith.constant 1 : i32
    %sub3A_32 = arith.constant 1 : i32
    %sub3A_33 = arith.subi %sub3A_31, %sub3A_32 : i32
    %add3A_34 = arith.addi %sub3A_30, %sub3A_33 : i32
    %div3A_35 = arith.constant 1 : i32
    %div3A_36 = arith.divsi %add3A_34, %div3A_35 : i32
    %while3A_37 = arith.constant 1 : i32
    %while3A_38 = arith.constant 0 : i32
    %while3A_39 = arith.constant 0 : i32
    %while3A_40 = arith.constant 0 : i32
    %while3A_41 = arith.subi %div3A_36, %while3A_40 : i32
    %while3A_42 = arith.addi %while3A_40, %while3A_41 : i32
    %while3A_43 = arith.constant 1 : i32
    %while3A_44 = arith.divsi %while3A_41, %while3A_43 : i32
    %while3A_45 = arith.muli %while3A_44, %while3A_43 : i32
    %while3A_46 = arith.addi %while3A_40, %while3A_45 : i32
    %while3A_47 = arith.constant 1 : i32
    scf.for %while3A_71 = %while3A_40 to %while3A_46 step %while3A_47  : i32 {
      %mul3A_72 = arith.muli %while3A_71, %while3A_37 : i32
      %add3A_73 = arith.addi %while3A_38, %mul3A_72 : i32
      %mul3A_74 = arith.constant 8 : i32
      %mul3A_75 = arith.muli %add3A_73, %mul3A_74 : i32
      %add3A_76 = arith.addi %add3A_8, %mul3A_75 : i32
      %mul3A_77 = arith.constant 128 : i32
      %mul3A_78 = arith.muli %and3A_1, %mul3A_77 : i32
      %mul3A_79 = arith.constant 8 : i32
      %mul3A_80 = arith.muli %add3A_73, %mul3A_79 : i32
      %dma_wait3A_81 = arith.constant 0 : i32
      %dma_wait3A_82 = tpu.memref_slice %arg5[%mul3A_80, %dma_wait3A_81] : memref<56x128xi32, #tpu.memory_space<vmem>> -> memref<8x128xi32, #tpu.memory_space<vmem>>
      %dma_wait3A_83 = tpu.memref_slice %arg3[%add3A_76, %mul3A_78] : memref<200x1024xi32, #tpu.memory_space<hbm>> -> memref<8x128xi32, #tpu.memory_space<hbm>>
      %dma_wait3A_84 = arith.constant 0 : i32
      %dma_wait3A_85 = tpu.memref_slice %arg5[%mul3A_80, %dma_wait3A_84] : memref<56x128xi32, #tpu.memory_space<vmem>> -> memref<8x128xi32, #tpu.memory_space<vmem>>
      %dma_wait3A_86 = tpu.memref_slice %arg3[%add3A_76, %mul3A_78] : memref<200x1024xi32, #tpu.memory_space<hbm>> -> memref<8x128xi32, #tpu.memory_space<hbm>>
      tpu.wait_dma2 semaphore(%arg9 : memref<!tpu.dma_semaphore, #tpu.memory_space<semaphore_mem>>) src(%dma_wait3A_86 : memref<8x128xi32, #tpu.memory_space<hbm>>) dst(%dma_wait3A_85 : memref<8x128xi32, #tpu.memory_space<vmem>>)
      %mul3A_87 = arith.constant 8 : i32
      %mul3A_88 = arith.muli %add3A_73, %mul3A_87 : i32
      %mul3A_89 = arith.constant 8 : i32
      %mul3A_90 = arith.muli %add3A_73, %mul3A_89 : i32
      %add3A_91 = arith.constant 8 : i32
      %add3A_92 = arith.addi %mul3A_90, %add3A_91 : i32
      %sub3A_93 = arith.subi %add3A_92, %mul3A_88 : i32
      %sub3A_94 = arith.constant 1 : i32
      %sub3A_95 = arith.constant 1 : i32
      %sub3A_96 = arith.subi %sub3A_94, %sub3A_95 : i32
      %add3A_97 = arith.addi %sub3A_93, %sub3A_96 : i32
      %div3A_98 = arith.constant 1 : i32
      %div3A_99 = arith.divsi %add3A_97, %div3A_98 : i32
      %while3A_100 = arith.constant 1 : i32
      %while3A_101 = arith.constant 0 : i32
      %while3A_102 = arith.subi %div3A_99, %while3A_101 : i32
      %while3A_103 = arith.addi %while3A_101, %while3A_102 : i32
      %while3A_104 = arith.constant 1 : i32
      %while3A_105 = arith.divsi %while3A_102, %while3A_104 : i32
      %while3A_106 = arith.muli %while3A_105, %while3A_104 : i32
      %while3A_107 = arith.addi %while3A_101, %while3A_106 : i32
      %while3A_108 = arith.constant 1 : i32
      scf.for %while3A_110 = %while3A_101 to %while3A_107 step %while3A_108  : i32 {
        %mul3A_111 = arith.muli %while3A_110, %while3A_100 : i32
        %add3A_112 = arith.addi %mul3A_88, %mul3A_111 : i32
        %mul3A_113 = arith.constant 1024 : i32
        %mul3A_114 = arith.muli %and3A_1, %mul3A_113 : i32
        %add3A_115 = arith.constant 0 : i32
        %add3A_116 = arith.addi %mul3A_114, %add3A_115 : i32
        %add3A_117 = vector.broadcast %add3A_116 : i32 to vector<16xi32>
        %add3A_118 = arith.addi %add3A_117, %iota3A : vector<16xi32>
        %get3A = arith.index_cast %add3A_112 : i32 to index
        %get3A_119 = arith.constant 0 : index
        %get3A_120 = tpu.vector_load %arg5[%get3A, %get3A_119] {strides = array<i32>} : memref<56x128xi32, #tpu.memory_space<vmem>>, vector<1x16xi32>,
        %get3A_121 = vector.shape_cast %get3A_120 : vector<1x16xi32> to vector<16xi32>
        %shift_right_arithmetic3A_122 = arith.constant 3 : i32
        %shift_right_arithmetic3A_123 = vector.broadcast %shift_right_arithmetic3A_122 : i32 to vector<16xi32>
        %shift_right_arithmetic3A_124 = arith.shrsi %get3A_121, %shift_right_arithmetic3A_123 : vector<16xi32>
        %shift_left3A = arith.constant 13 : i32
        %shift_left3A_125 = vector.broadcast %shift_left3A : i32 to vector<16xi32>
        %shift_left3A_126 = arith.shli %shift_right_arithmetic3A_124, %shift_left3A_125 : vector<16xi32>
        %and3A_127 = arith.constant 7 : i32
        %and3A_128 = vector.broadcast %and3A_127 : i32 to vector<16xi32>
        %and3A_129 = arith.andi %get3A_121, %and3A_128 : vector<16xi32>
        %shift_left3A_130 = arith.constant 7 : i32
        %shift_left3A_131 = vector.broadcast %shift_left3A_130 : i32 to vector<16xi32>
        %shift_left3A_132 = arith.shli %and3A_129, %shift_left3A_131 : vector<16xi32>
        %add3A_133 = arith.addi %shift_left3A_126, %shift_left3A_132 : vector<16xi32>
        %add3A_134 = arith.addi %add3A_133, %add3A_118 : vector<16xi32>
        %swap3A = arith.index_cast %add3A_112 : i32 to index
        %swap3A_135 = arith.constant 0 : index
        %swap3A_136 = tpu.vector_load %arg6[%swap3A, %swap3A_135] {strides = array<i32>} : memref<56x128xi32, #tpu.memory_space<vmem>>, vector<1x16xi32>,
        %swap3A_137 = vector.shape_cast %swap3A_136 : vector<1x16xi32> to vector<16xi32>
        %swap3A_138 = vector.shape_cast %add3A_134 : vector<16xi32> to vector<1x16xi32>
        tpu.vector_store %arg6[%swap3A, %swap3A_135], %swap3A_138 {strides = array<i32>} : memref<56x128xi32, #tpu.memory_space<vmem>>, vector<1x16xi32>,
        %mul3A_139 = arith.constant 1024 : i32
        %mul3A_140 = arith.muli %and3A_1, %mul3A_139 : i32
        %add3A_141 = arith.constant 16 : i32
        %add3A_142 = arith.addi %mul3A_140, %add3A_141 : i32
        %add3A_143 = vector.broadcast %add3A_142 : i32 to vector<16xi32>
        %add3A_144 = arith.addi %add3A_143, %iota3A : vector<16xi32>
        %get3A_145 = arith.index_cast %add3A_112 : i32 to index
        %get3A_146 = arith.constant 16 : index
        %get3A_147 = tpu.vector_load %arg5[%get3A_145, %get3A_146] {strides = array<i32>} : memref<56x128xi32, #tpu.memory_space<vmem>>, vector<1x16xi32>,
        %get3A_148 = vector.shape_cast %get3A_147 : vector<1x16xi32> to vector<16xi32>
        %shift_right_arithmetic3A_149 = arith.constant 3 : i32
        %shift_right_arithmetic3A_150 = vector.broadcast %shift_right_arithmetic3A_149 : i32 to vector<16xi32>
        %shift_right_arithmetic3A_151 = arith.shrsi %get3A_148, %shift_right_arithmetic3A_150 : vector<16xi32>
        %shift_left3A_152 = arith.constant 13 : i32
        %shift_left3A_153 = vector.broadcast %shift_left3A_152 : i32 to vector<16xi32>
        %shift_left3A_154 = arith.shli %shift_right_arithmetic3A_151, %shift_left3A_153 : vector<16xi32>
        %and3A_155 = arith.constant 7 : i32
        %and3A_156 = vector.broadcast %and3A_155 : i32 to vector<16xi32>
        %and3A_157 = arith.andi %get3A_148, %and3A_156 : vector<16xi32>
        %shift_left3A_158 = arith.constant 7 : i32
        %shift_left3A_159 = vector.broadcast %shift_left3A_158 : i32 to vector<16xi32>
        %shift_left3A_160 = arith.shli %and3A_157, %shift_left3A_159 : vector<16xi32>
        %add3A_161 = arith.addi %shift_left3A_154, %shift_left3A_160 : vector<16xi32>
        %add3A_162 = arith.addi %add3A_161, %add3A_144 : vector<16xi32>
        %swap3A_163 = arith.index_cast %add3A_112 : i32 to index
        %swap3A_164 = arith.constant 16 : index
        %swap3A_165 = tpu.vector_load %arg6[%swap3A_163, %swap3A_164] {strides = array<i32>} : memref<56x128xi32, #tpu.memory_space<vmem>>, vector<1x16xi32>,
        %swap3A_166 = vector.shape_cast %swap3A_165 : vector<1x16xi32> to vector<16xi32>
        %swap3A_167 = vector.shape_cast %add3A_162 : vector<16xi32> to vector<1x16xi32>
        tpu.vector_store %arg6[%swap3A_163, %swap3A_164], %swap3A_167 {strides = array<i32>} : memref<56x128xi32, #tpu.memory_space<vmem>>, vector<1x16xi32>,
        %mul3A_168 = arith.constant 1024 : i32
        %mul3A_169 = arith.muli %and3A_1, %mul3A_168 : i32
        %add3A_170 = arith.constant 32 : i32
        %add3A_171 = arith.addi %mul3A_169, %add3A_170 : i32
        %add3A_172 = vector.broadcast %add3A_171 : i32 to vector<16xi32>
        %add3A_173 = arith.addi %add3A_172, %iota3A : vector<16xi32>
        %get3A_174 = arith.index_cast %add3A_112 : i32 to index
        %get3A_175 = arith.constant 32 : index
        %get3A_176 = tpu.vector_load %arg5[%get3A_174, %get3A_175] {strides = array<i32>} : memref<56x128xi32, #tpu.memory_space<vmem>>, vector<1x16xi32>,
        %get3A_177 = vector.shape_cast %get3A_176 : vector<1x16xi32> to vector<16xi32>
        %shift_right_arithmetic3A_178 = arith.constant 3 : i32
        %shift_right_arithmetic3A_179 = vector.broadcast %shift_right_arithmetic3A_178 : i32 to vector<16xi32>
        %shift_right_arithmetic3A_180 = arith.shrsi %get3A_177, %shift_right_arithmetic3A_179 : vector<16xi32>
        %shift_left3A_181 = arith.constant 13 : i32
        %shift_left3A_182 = vector.broadcast %shift_left3A_181 : i32 to vector<16xi32>
        %shift_left3A_183 = arith.shli %shift_right_arithmetic3A_180, %shift_left3A_182 : vector<16xi32>
        %and3A_184 = arith.constant 7 : i32
        %and3A_185 = vector.broadcast %and3A_184 : i32 to vector<16xi32>
        %and3A_186 = arith.andi %get3A_177, %and3A_185 : vector<16xi32>
        %shift_left3A_187 = arith.constant 7 : i32
        %shift_left3A_188 = vector.broadcast %shift_left3A_187 : i32 to vector<16xi32>
        %shift_left3A_189 = arith.shli %and3A_186, %shift_left3A_188 : vector<16xi32>
        %add3A_190 = arith.addi %shift_left3A_183, %shift_left3A_189 : vector<16xi32>
        %add3A_191 = arith.addi %add3A_190, %add3A_173 : vector<16xi32>
        %swap3A_192 = arith.index_cast %add3A_112 : i32 to index
        %swap3A_193 = arith.constant 32 : index
        %swap3A_194 = tpu.vector_load %arg6[%swap3A_192, %swap3A_193] {strides = array<i32>} : memref<56x128xi32, #tpu.memory_space<vmem>>, vector<1x16xi32>,
        %swap3A_195 = vector.shape_cast %swap3A_194 : vector<1x16xi32> to vector<16xi32>
        %swap3A_196 = vector.shape_cast %add3A_191 : vector<16xi32> to vector<1x16xi32>
        tpu.vector_store %arg6[%swap3A_192, %swap3A_193], %swap3A_196 {strides = array<i32>} : memref<56x128xi32, #tpu.memory_space<vmem>>, vector<1x16xi32>,
        %mul3A_197 = arith.constant 1024 : i32
        %mul3A_198 = arith.muli %and3A_1, %mul3A_197 : i32
        %add3A_199 = arith.constant 48 : i32
        %add3A_200 = arith.addi %mul3A_198, %add3A_199 : i32
        %add3A_201 = vector.broadcast %add3A_200 : i32 to vector<16xi32>
        %add3A_202 = arith.addi %add3A_201, %iota3A : vector<16xi32>
        %get3A_203 = arith.index_cast %add3A_112 : i32 to index
        %get3A_204 = arith.constant 48 : index
        %get3A_205 = tpu.vector_load %arg5[%get3A_203, %get3A_204] {strides = array<i32>} : memref<56x128xi32, #tpu.memory_space<vmem>>, vector<1x16xi32>,
        %get3A_206 = vector.shape_cast %get3A_205 : vector<1x16xi32> to vector<16xi32>
        %shift_right_arithmetic3A_207 = arith.constant 3 : i32
        %shift_right_arithmetic3A_208 = vector.broadcast %shift_right_arithmetic3A_207 : i32 to vector<16xi32>
        %shift_right_arithmetic3A_209 = arith.shrsi %get3A_206, %shift_right_arithmetic3A_208 : vector<16xi32>
        %shift_left3A_210 = arith.constant 13 : i32
        %shift_left3A_211 = vector.broadcast %shift_left3A_210 : i32 to vector<16xi32>
        %shift_left3A_212 = arith.shli %shift_right_arithmetic3A_209, %shift_left3A_211 : vector<16xi32>
        %and3A_213 = arith.constant 7 : i32
        %and3A_214 = vector.broadcast %and3A_213 : i32 to vector<16xi32>
        %and3A_215 = arith.andi %get3A_206, %and3A_214 : vector<16xi32>
        %shift_left3A_216 = arith.constant 7 : i32
        %shift_left3A_217 = vector.broadcast %shift_left3A_216 : i32 to vector<16xi32>
        %shift_left3A_218 = arith.shli %and3A_215, %shift_left3A_217 : vector<16xi32>
        %add3A_219 = arith.addi %shift_left3A_212, %shift_left3A_218 : vector<16xi32>
        %add3A_220 = arith.addi %add3A_219, %add3A_202 : vector<16xi32>
        %swap3A_221 = arith.index_cast %add3A_112 : i32 to index
        %swap3A_222 = arith.constant 48 : index
        %swap3A_223 = tpu.vector_load %arg6[%swap3A_221, %swap3A_222] {strides = array<i32>} : memref<56x128xi32, #tpu.memory_space<vmem>>, vector<1x16xi32>,
        %swap3A_224 = vector.shape_cast %swap3A_223 : vector<1x16xi32> to vector<16xi32>
        %swap3A_225 = vector.shape_cast %add3A_220 : vector<16xi32> to vector<1x16xi32>
        tpu.vector_store %arg6[%swap3A_221, %swap3A_222], %swap3A_225 {strides = array<i32>} : memref<56x128xi32, #tpu.memory_space<vmem>>, vector<1x16xi32>,
        %mul3A_226 = arith.constant 1024 : i32
        %mul3A_227 = arith.muli %and3A_1, %mul3A_226 : i32
        %add3A_228 = arith.constant 64 : i32
        %add3A_229 = arith.addi %mul3A_227, %add3A_228 : i32
        %add3A_230 = vector.broadcast %add3A_229 : i32 to vector<16xi32>
        %add3A_231 = arith.addi %add3A_230, %iota3A : vector<16xi32>
        %get3A_232 = arith.index_cast %add3A_112 : i32 to index
        %get3A_233 = arith.constant 64 : index
        %get3A_234 = tpu.vector_load %arg5[%get3A_232, %get3A_233] {strides = array<i32>} : memref<56x128xi32, #tpu.memory_space<vmem>>, vector<1x16xi32>,
        %get3A_235 = vector.shape_cast %get3A_234 : vector<1x16xi32> to vector<16xi32>
        %shift_right_arithmetic3A_236 = arith.constant 3 : i32
        %shift_right_arithmetic3A_237 = vector.broadcast %shift_right_arithmetic3A_236 : i32 to vector<16xi32>
        %shift_right_arithmetic3A_238 = arith.shrsi %get3A_235, %shift_right_arithmetic3A_237 : vector<16xi32>
        %shift_left3A_239 = arith.constant 13 : i32
        %shift_left3A_240 = vector.broadcast %shift_left3A_239 : i32 to vector<16xi32>
        %shift_left3A_241 = arith.shli %shift_right_arithmetic3A_238, %shift_left3A_240 : vector<16xi32>
        %and3A_242 = arith.constant 7 : i32
        %and3A_243 = vector.broadcast %and3A_242 : i32 to vector<16xi32>
        %and3A_244 = arith.andi %get3A_235, %and3A_243 : vector<16xi32>
        %shift_left3A_245 = arith.constant 7 : i32
        %shift_left3A_246 = vector.broadcast %shift_left3A_245 : i32 to vector<16xi32>
        %shift_left3A_247 = arith.shli %and3A_244, %shift_left3A_246 : vector<16xi32>
        %add3A_248 = arith.addi %shift_left3A_241, %shift_left3A_247 : vector<16xi32>
        %add3A_249 = arith.addi %add3A_248, %add3A_231 : vector<16xi32>
        %swap3A_250 = arith.index_cast %add3A_112 : i32 to index
        %swap3A_251 = arith.constant 64 : index
        %swap3A_252 = tpu.vector_load %arg6[%swap3A_250, %swap3A_251] {strides = array<i32>} : memref<56x128xi32, #tpu.memory_space<vmem>>, vector<1x16xi32>,
        %swap3A_253 = vector.shape_cast %swap3A_252 : vector<1x16xi32> to vector<16xi32>
        %swap3A_254 = vector.shape_cast %add3A_249 : vector<16xi32> to vector<1x16xi32>
        tpu.vector_store %arg6[%swap3A_250, %swap3A_251], %swap3A_254 {strides = array<i32>} : memref<56x128xi32, #tpu.memory_space<vmem>>, vector<1x16xi32>,
        %mul3A_255 = arith.constant 1024 : i32
        %mul3A_256 = arith.muli %and3A_1, %mul3A_255 : i32
        %add3A_257 = arith.constant 80 : i32
        %add3A_258 = arith.addi %mul3A_256, %add3A_257 : i32
        %add3A_259 = vector.broadcast %add3A_258 : i32 to vector<16xi32>
        %add3A_260 = arith.addi %add3A_259, %iota3A : vector<16xi32>
        %get3A_261 = arith.index_cast %add3A_112 : i32 to index
        %get3A_262 = arith.constant 80 : index
        %get3A_263 = tpu.vector_load %arg5[%get3A_261, %get3A_262] {strides = array<i32>} : memref<56x128xi32, #tpu.memory_space<vmem>>, vector<1x16xi32>,
        %get3A_264 = vector.shape_cast %get3A_263 : vector<1x16xi32> to vector<16xi32>
        %shift_right_arithmetic3A_265 = arith.constant 3 : i32
        %shift_right_arithmetic3A_266 = vector.broadcast %shift_right_arithmetic3A_265 : i32 to vector<16xi32>
        %shift_right_arithmetic3A_267 = arith.shrsi %get3A_264, %shift_right_arithmetic3A_266 : vector<16xi32>
        %shift_left3A_268 = arith.constant 13 : i32
        %shift_left3A_269 = vector.broadcast %shift_left3A_268 : i32 to vector<16xi32>
        %shift_left3A_270 = arith.shli %shift_right_arithmetic3A_267, %shift_left3A_269 : vector<16xi32>
        %and3A_271 = arith.constant 7 : i32
        %and3A_272 = vector.broadcast %and3A_271 : i32 to vector<16xi32>
        %and3A_273 = arith.andi %get3A_264, %and3A_272 : vector<16xi32>
        %shift_left3A_274 = arith.constant 7 : i32
        %shift_left3A_275 = vector.broadcast %shift_left3A_274 : i32 to vector<16xi32>
        %shift_left3A_276 = arith.shli %and3A_273, %shift_left3A_275 : vector<16xi32>
        %add3A_277 = arith.addi %shift_left3A_270, %shift_left3A_276 : vector<16xi32>
        %add3A_278 = arith.addi %add3A_277, %add3A_260 : vector<16xi32>
        %swap3A_279 = arith.index_cast %add3A_112 : i32 to index
        %swap3A_280 = arith.constant 80 : index
        %swap3A_281 = tpu.vector_load %arg6[%swap3A_279, %swap3A_280] {strides = array<i32>} : memref<56x128xi32, #tpu.memory_space<vmem>>, vector<1x16xi32>,
        %swap3A_282 = vector.shape_cast %swap3A_281 : vector<1x16xi32> to vector<16xi32>
        %swap3A_283 = vector.shape_cast %add3A_278 : vector<16xi32> to vector<1x16xi32>
        tpu.vector_store %arg6[%swap3A_279, %swap3A_280], %swap3A_283 {strides = array<i32>} : memref<56x128xi32, #tpu.memory_space<vmem>>, vector<1x16xi32>,
        %mul3A_284 = arith.constant 1024 : i32
        %mul3A_285 = arith.muli %and3A_1, %mul3A_284 : i32
        %add3A_286 = arith.constant 96 : i32
        %add3A_287 = arith.addi %mul3A_285, %add3A_286 : i32
        %add3A_288 = vector.broadcast %add3A_287 : i32 to vector<16xi32>
        %add3A_289 = arith.addi %add3A_288, %iota3A : vector<16xi32>
        %get3A_290 = arith.index_cast %add3A_112 : i32 to index
        %get3A_291 = arith.constant 96 : index
        %get3A_292 = tpu.vector_load %arg5[%get3A_290, %get3A_291] {strides = array<i32>} : memref<56x128xi32, #tpu.memory_space<vmem>>, vector<1x16xi32>,
        %get3A_293 = vector.shape_cast %get3A_292 : vector<1x16xi32> to vector<16xi32>
        %shift_right_arithmetic3A_294 = arith.constant 3 : i32
        %shift_right_arithmetic3A_295 = vector.broadcast %shift_right_arithmetic3A_294 : i32 to vector<16xi32>
        %shift_right_arithmetic3A_296 = arith.shrsi %get3A_293, %shift_right_arithmetic3A_295 : vector<16xi32>
        %shift_left3A_297 = arith.constant 13 : i32
        %shift_left3A_298 = vector.broadcast %shift_left3A_297 : i32 to vector<16xi32>
        %shift_left3A_299 = arith.shli %shift_right_arithmetic3A_296, %shift_left3A_298 : vector<16xi32>
        %and3A_300 = arith.constant 7 : i32
        %and3A_301 = vector.broadcast %and3A_300 : i32 to vector<16xi32>
        %and3A_302 = arith.andi %get3A_293, %and3A_301 : vector<16xi32>
        %shift_left3A_303 = arith.constant 7 : i32
        %shift_left3A_304 = vector.broadcast %shift_left3A_303 : i32 to vector<16xi32>
        %shift_left3A_305 = arith.shli %and3A_302, %shift_left3A_304 : vector<16xi32>
        %add3A_306 = arith.addi %shift_left3A_299, %shift_left3A_305 : vector<16xi32>
        %add3A_307 = arith.addi %add3A_306, %add3A_289 : vector<16xi32>
        %swap3A_308 = arith.index_cast %add3A_112 : i32 to index
        %swap3A_309 = arith.constant 96 : index
        %swap3A_310 = tpu.vector_load %arg6[%swap3A_308, %swap3A_309] {strides = array<i32>} : memref<56x128xi32, #tpu.memory_space<vmem>>, vector<1x16xi32>,
        %swap3A_311 = vector.shape_cast %swap3A_310 : vector<1x16xi32> to vector<16xi32>
        %swap3A_312 = vector.shape_cast %add3A_307 : vector<16xi32> to vector<1x16xi32>
        tpu.vector_store %arg6[%swap3A_308, %swap3A_309], %swap3A_312 {strides = array<i32>} : memref<56x128xi32, #tpu.memory_space<vmem>>, vector<1x16xi32>,
        %mul3A_313 = arith.constant 1024 : i32
        %mul3A_314 = arith.muli %and3A_1, %mul3A_313 : i32
        %add3A_315 = arith.constant 112 : i32
        %add3A_316 = arith.addi %mul3A_314, %add3A_315 : i32
        %add3A_317 = vector.broadcast %add3A_316 : i32 to vector<16xi32>
        %add3A_318 = arith.addi %add3A_317, %iota3A : vector<16xi32>
        %get3A_319 = arith.index_cast %add3A_112 : i32 to index
        %get3A_320 = arith.constant 112 : index
        %get3A_321 = tpu.vector_load %arg5[%get3A_319, %get3A_320] {strides = array<i32>} : memref<56x128xi32, #tpu.memory_space<vmem>>, vector<1x16xi32>,
        %get3A_322 = vector.shape_cast %get3A_321 : vector<1x16xi32> to vector<16xi32>
        %shift_right_arithmetic3A_323 = arith.constant 3 : i32
        %shift_right_arithmetic3A_324 = vector.broadcast %shift_right_arithmetic3A_323 : i32 to vector<16xi32>
        %shift_right_arithmetic3A_325 = arith.shrsi %get3A_322, %shift_right_arithmetic3A_324 : vector<16xi32>
        %shift_left3A_326 = arith.constant 13 : i32
        %shift_left3A_327 = vector.broadcast %shift_left3A_326 : i32 to vector<16xi32>
        %shift_left3A_328 = arith.shli %shift_right_arithmetic3A_325, %shift_left3A_327 : vector<16xi32>
        %and3A_329 = arith.constant 7 : i32
        %and3A_330 = vector.broadcast %and3A_329 : i32 to vector<16xi32>
        %and3A_331 = arith.andi %get3A_322, %and3A_330 : vector<16xi32>
        %shift_left3A_332 = arith.constant 7 : i32
        %shift_left3A_333 = vector.broadcast %shift_left3A_332 : i32 to vector<16xi32>
        %shift_left3A_334 = arith.shli %and3A_331, %shift_left3A_333 : vector<16xi32>
        %add3A_335 = arith.addi %shift_left3A_328, %shift_left3A_334 : vector<16xi32>
        %add3A_336 = arith.addi %add3A_335, %add3A_318 : vector<16xi32>
        %swap3A_337 = arith.index_cast %add3A_112 : i32 to index
        %swap3A_338 = arith.constant 112 : index
        %swap3A_339 = tpu.vector_load %arg6[%swap3A_337, %swap3A_338] {strides = array<i32>} : memref<56x128xi32, #tpu.memory_space<vmem>>, vector<1x16xi32>,
        %swap3A_340 = vector.shape_cast %swap3A_339 : vector<1x16xi32> to vector<16xi32>
        %swap3A_341 = vector.shape_cast %add3A_336 : vector<16xi32> to vector<1x16xi32>
        tpu.vector_store %arg6[%swap3A_337, %swap3A_338], %swap3A_341 {strides = array<i32>} : memref<56x128xi32, #tpu.memory_space<vmem>>, vector<1x16xi32>,
        %dma_start3A = arith.constant 0 : i32
        %dma_start3A_342 = tpu.memref_slice %arg7[%add3A_112, %dma_start3A] : memref<56x128xf32, #tpu.memory_space<vmem>> -> memref<1x128xf32, #tpu.memory_space<vmem>>
        %dma_start3A_343 = tpu.memref_squeeze %dma_start3A_342 : memref<1x128xf32, #tpu.memory_space<vmem>> -> memref<128xf32, #tpu.memory_space<vmem>>
        %dma_start3A_344 = arith.constant 0 : i32
        %dma_start3A_345 = tpu.memref_slice %arg6[%add3A_112, %dma_start3A_344] : memref<56x128xi32, #tpu.memory_space<vmem>> -> memref<1x128xi32, #tpu.memory_space<vmem>>
        %dma_start3A_346 = tpu.memref_squeeze %dma_start3A_345 : memref<1x128xi32, #tpu.memory_space<vmem>> -> memref<128xi32, #tpu.memory_space<vmem>>
        %dma_start3A_347 = arith.constant 0 : i32
        %dma_start3A_348 = tpu.memref_slice %arg2[%while3A_39, %dma_start3A_347] : memref<100000x1024xf32, #tpu.memory_space<hbm>> -> memref<1x128xf32, #tpu.memory_space<hbm>>
        %dma_start3A_349 = tpu.memref_squeeze %dma_start3A_348 : memref<1x128xf32, #tpu.memory_space<hbm>> -> memref<128xf32, #tpu.memory_space<hbm>>
        %dma_start3A_350 = arith.constant 0 : i32
        %dma_start3A_351 = tpu.memref_slice %dma_start3A_349[%dma_start3A_350] : memref<128xf32, #tpu.memory_space<hbm>> -> memref<128xf32, #tpu.memory_space<hbm>>
        tpu.enqueue_indirect_dma source(%dma_start3A_351 : memref<128xf32, #tpu.memory_space<hbm>>) target(%dma_start3A_343 : memref<128xf32, #tpu.memory_space<vmem>>) offsets(%dma_start3A_346 : memref<128xi32, #tpu.memory_space<vmem>>) semaphore(%arg8 : memref<!tpu.dma_semaphore, #tpu.memory_space<semaphore_mem>>)
      }
      %while3A_109 = arith.constant 1 : i32
      scf.for %while3A_110 = %while3A_107 to %while3A_103 step %while3A_109  : i32 {
        %mul3A_111 = arith.muli %while3A_110, %while3A_100 : i32
        %add3A_112 = arith.addi %mul3A_88, %mul3A_111 : i32
        %mul3A_113 = arith.constant 1024 : i32
        %mul3A_114 = arith.muli %and3A_1, %mul3A_113 : i32
        %add3A_115 = arith.constant 0 : i32
        %add3A_116 = arith.addi %mul3A_114, %add3A_115 : i32
        %add3A_117 = vector.broadcast %add3A_116 : i32 to vector<16xi32>
        %add3A_118 = arith.addi %add3A_117, %iota3A : vector<16xi32>
        %get3A = arith.index_cast %add3A_112 : i32 to index
        %get3A_119 = arith.constant 0 : index
        %get3A_120 = tpu.vector_load %arg5[%get3A, %get3A_119] {strides = array<i32>} : memref<56x128xi32, #tpu.memory_space<vmem>>, vector<1x16xi32>,
        %get3A_121 = vector.shape_cast %get3A_120 : vector<1x16xi32> to vector<16xi32>
        %shift_right_arithmetic3A_122 = arith.constant 3 : i32
        %shift_right_arithmetic3A_123 = vector.broadcast %shift_right_arithmetic3A_122 : i32 to vector<16xi32>
        %shift_right_arithmetic3A_124 = arith.shrsi %get3A_121, %shift_right_arithmetic3A_123 : vector<16xi32>
        %shift_left3A = arith.constant 13 : i32
        %shift_left3A_125 = vector.broadcast %shift_left3A : i32 to vector<16xi32>
        %shift_left3A_126 = arith.shli %shift_right_arithmetic3A_124, %shift_left3A_125 : vector<16xi32>
        %and3A_127 = arith.constant 7 : i32
        %and3A_128 = vector.broadcast %and3A_127 : i32 to vector<16xi32>
        %and3A_129 = arith.andi %get3A_121, %and3A_128 : vector<16xi32>
        %shift_left3A_130 = arith.constant 7 : i32
        %shift_left3A_131 = vector.broadcast %shift_left3A_130 : i32 to vector<16xi32>
        %shift_left3A_132 = arith.shli %and3A_129, %shift_left3A_131 : vector<16xi32>
        %add3A_133 = arith.addi %shift_left3A_126, %shift_left3A_132 : vector<16xi32>
        %add3A_134 = arith.addi %add3A_133, %add3A_118 : vector<16xi32>
        %swap3A = arith.index_cast %add3A_112 : i32 to index
        %swap3A_135 = arith.constant 0 : index
        %swap3A_136 = tpu.vector_load %arg6[%swap3A, %swap3A_135] {strides = array<i32>} : memref<56x128xi32, #tpu.memory_space<vmem>>, vector<1x16xi32>,
        %swap3A_137 = vector.shape_cast %swap3A_136 : vector<1x16xi32> to vector<16xi32>
        %swap3A_138 = vector.shape_cast %add3A_134 : vector<16xi32> to vector<1x16xi32>
        tpu.vector_store %arg6[%swap3A, %swap3A_135], %swap3A_138 {strides = array<i32>} : memref<56x128xi32, #tpu.memory_space<vmem>>, vector<1x16xi32>,
        %mul3A_139 = arith.constant 1024 : i32
        %mul3A_140 = arith.muli %and3A_1, %mul3A_139 : i32
        %add3A_141 = arith.constant 16 : i32
        %add3A_142 = arith.addi %mul3A_140, %add3A_141 : i32
        %add3A_143 = vector.broadcast %add3A_142 : i32 to vector<16xi32>
        %add3A_144 = arith.addi %add3A_143, %iota3A : vector<16xi32>
        %get3A_145 = arith.index_cast %add3A_112 : i32 to index
        %get3A_146 = arith.constant 16 : index
        %get3A_147 = tpu.vector_load %arg5[%get3A_145, %get3A_146] {strides = array<i32>} : memref<56x128xi32, #tpu.memory_space<vmem>>, vector<1x16xi32>,
        %get3A_148 = vector.shape_cast %get3A_147 : vector<1x16xi32> to vector<16xi32>
        %shift_right_arithmetic3A_149 = arith.constant 3 : i32
        %shift_right_arithmetic3A_150 = vector.broadcast %shift_right_arithmetic3A_149 : i32 to vector<16xi32>
        %shift_right_arithmetic3A_151 = arith.shrsi %get3A_148, %shift_right_arithmetic3A_150 : vector<16xi32>
        %shift_left3A_152 = arith.constant 13 : i32
        %shift_left3A_153 = vector.broadcast %shift_left3A_152 : i32 to vector<16xi32>
        %shift_left3A_154 = arith.shli %shift_right_arithmetic3A_151, %shift_left3A_153 : vector<16xi32>
        %and3A_155 = arith.constant 7 : i32
        %and3A_156 = vector.broadcast %and3A_155 : i32 to vector<16xi32>
        %and3A_157 = arith.andi %get3A_148, %and3A_156 : vector<16xi32>
        %shift_left3A_158 = arith.constant 7 : i32
        %shift_left3A_159 = vector.broadcast %shift_left3A_158 : i32 to vector<16xi32>
        %shift_left3A_160 = arith.shli %and3A_157, %shift_left3A_159 : vector<16xi32>
        %add3A_161 = arith.addi %shift_left3A_154, %shift_left3A_160 : vector<16xi32>
        %add3A_162 = arith.addi %add3A_161, %add3A_144 : vector<16xi32>
        %swap3A_163 = arith.index_cast %add3A_112 : i32 to index
        %swap3A_164 = arith.constant 16 : index
        %swap3A_165 = tpu.vector_load %arg6[%swap3A_163, %swap3A_164] {strides = array<i32>} : memref<56x128xi32, #tpu.memory_space<vmem>>, vector<1x16xi32>,
        %swap3A_166 = vector.shape_cast %swap3A_165 : vector<1x16xi32> to vector<16xi32>
        %swap3A_167 = vector.shape_cast %add3A_162 : vector<16xi32> to vector<1x16xi32>
        tpu.vector_store %arg6[%swap3A_163, %swap3A_164], %swap3A_167 {strides = array<i32>} : memref<56x128xi32, #tpu.memory_space<vmem>>, vector<1x16xi32>,
        %mul3A_168 = arith.constant 1024 : i32
        %mul3A_169 = arith.muli %and3A_1, %mul3A_168 : i32
        %add3A_170 = arith.constant 32 : i32
        %add3A_171 = arith.addi %mul3A_169, %add3A_170 : i32
        %add3A_172 = vector.broadcast %add3A_171 : i32 to vector<16xi32>
        %add3A_173 = arith.addi %add3A_172, %iota3A : vector<16xi32>
        %get3A_174 = arith.index_cast %add3A_112 : i32 to index
        %get3A_175 = arith.constant 32 : index
        %get3A_176 = tpu.vector_load %arg5[%get3A_174, %get3A_175] {strides = array<i32>} : memref<56x128xi32, #tpu.memory_space<vmem>>, vector<1x16xi32>,
        %get3A_177 = vector.shape_cast %get3A_176 : vector<1x16xi32> to vector<16xi32>
        %shift_right_arithmetic3A_178 = arith.constant 3 : i32
        %shift_right_arithmetic3A_179 = vector.broadcast %shift_right_arithmetic3A_178 : i32 to vector<16xi32>
        %shift_right_arithmetic3A_180 = arith.shrsi %get3A_177, %shift_right_arithmetic3A_179 : vector<16xi32>
        %shift_left3A_181 = arith.constant 13 : i32
        %shift_left3A_182 = vector.broadcast %shift_left3A_181 : i32 to vector<16xi32>
        %shift_left3A_183 = arith.shli %shift_right_arithmetic3A_180, %shift_left3A_182 : vector<16xi32>
        %and3A_184 = arith.constant 7 : i32
        %and3A_185 = vector.broadcast %and3A_184 : i32 to vector<16xi32>
        %and3A_186 = arith.andi %get3A_177, %and3A_185 : vector<16xi32>
        %shift_left3A_187 = arith.constant 7 : i32
        %shift_left3A_188 = vector.broadcast %shift_left3A_187 : i32 to vector<16xi32>
        %shift_left3A_189 = arith.shli %and3A_186, %shift_left3A_188 : vector<16xi32>
        %add3A_190 = arith.addi %shift_left3A_183, %shift_left3A_189 : vector<16xi32>
        %add3A_191 = arith.addi %add3A_190, %add3A_173 : vector<16xi32>
        %swap3A_192 = arith.index_cast %add3A_112 : i32 to index
        %swap3A_193 = arith.constant 32 : index
        %swap3A_194 = tpu.vector_load %arg6[%swap3A_192, %swap3A_193] {strides = array<i32>} : memref<56x128xi32, #tpu.memory_space<vmem>>, vector<1x16xi32>,
        %swap3A_195 = vector.shape_cast %swap3A_194 : vector<1x16xi32> to vector<16xi32>
        %swap3A_196 = vector.shape_cast %add3A_191 : vector<16xi32> to vector<1x16xi32>
        tpu.vector_store %arg6[%swap3A_192, %swap3A_193], %swap3A_196 {strides = array<i32>} : memref<56x128xi32, #tpu.memory_space<vmem>>, vector<1x16xi32>,
        %mul3A_197 = arith.constant 1024 : i32
        %mul3A_198 = arith.muli %and3A_1, %mul3A_197 : i32
        %add3A_199 = arith.constant 48 : i32
        %add3A_200 = arith.addi %mul3A_198, %add3A_199 : i32
        %add3A_201 = vector.broadcast %add3A_200 : i32 to vector<16xi32>
        %add3A_202 = arith.addi %add3A_201, %iota3A : vector<16xi32>
        %get3A_203 = arith.index_cast %add3A_112 : i32 to index
        %get3A_204 = arith.constant 48 : index
        %get3A_205 = tpu.vector_load %arg5[%get3A_203, %get3A_204] {strides = array<i32>} : memref<56x128xi32, #tpu.memory_space<vmem>>, vector<1x16xi32>,
        %get3A_206 = vector.shape_cast %get3A_205 : vector<1x16xi32> to vector<16xi32>
        %shift_right_arithmetic3A_207 = arith.constant 3 : i32
        %shift_right_arithmetic3A_208 = vector.broadcast %shift_right_arithmetic3A_207 : i32 to vector<16xi32>
        %shift_right_arithmetic3A_209 = arith.shrsi %get3A_206, %shift_right_arithmetic3A_208 : vector<16xi32>
        %shift_left3A_210 = arith.constant 13 : i32
        %shift_left3A_211 = vector.broadcast %shift_left3A_210 : i32 to vector<16xi32>
        %shift_left3A_212 = arith.shli %shift_right_arithmetic3A_209, %shift_left3A_211 : vector<16xi32>
        %and3A_213 = arith.constant 7 : i32
        %and3A_214 = vector.broadcast %and3A_213 : i32 to vector<16xi32>
        %and3A_215 = arith.andi %get3A_206, %and3A_214 : vector<16xi32>
        %shift_left3A_216 = arith.constant 7 : i32
        %shift_left3A_217 = vector.broadcast %shift_left3A_216 : i32 to vector<16xi32>
        %shift_left3A_218 = arith.shli %and3A_215, %shift_left3A_217 : vector<16xi32>
        %add3A_219 = arith.addi %shift_left3A_212, %shift_left3A_218 : vector<16xi32>
        %add3A_220 = arith.addi %add3A_219, %add3A_202 : vector<16xi32>
        %swap3A_221 = arith.index_cast %add3A_112 : i32 to index
        %swap3A_222 = arith.constant 48 : index
        %swap3A_223 = tpu.vector_load %arg6[%swap3A_221, %swap3A_222] {strides = array<i32>} : memref<56x128xi32, #tpu.memory_space<vmem>>, vector<1x16xi32>,
        %swap3A_224 = vector.shape_cast %swap3A_223 : vector<1x16xi32> to vector<16xi32>
        %swap3A_225 = vector.shape_cast %add3A_220 : vector<16xi32> to vector<1x16xi32>
        tpu.vector_store %arg6[%swap3A_221, %swap3A_222], %swap3A_225 {strides = array<i32>} : memref<56x128xi32, #tpu.memory_space<vmem>>, vector<1x16xi32>,
        %mul3A_226 = arith.constant 1024 : i32
        %mul3A_227 = arith.muli %and3A_1, %mul3A_226 : i32
        %add3A_228 = arith.constant 64 : i32
        %add3A_229 = arith.addi %mul3A_227, %add3A_228 : i32
        %add3A_230 = vector.broadcast %add3A_229 : i32 to vector<16xi32>
        %add3A_231 = arith.addi %add3A_230, %iota3A : vector<16xi32>
        %get3A_232 = arith.index_cast %add3A_112 : i32 to index
        %get3A_233 = arith.constant 64 : index
        %get3A_234 = tpu.vector_load %arg5[%get3A_232, %get3A_233] {strides = array<i32>} : memref<56x128xi32, #tpu.memory_space<vmem>>, vector<1x16xi32>,
        %get3A_235 = vector.shape_cast %get3A_234 : vector<1x16xi32> to vector<16xi32>
        %shift_right_arithmetic3A_236 = arith.constant 3 : i32
        %shift_right_arithmetic3A_237 = vector.broadcast %shift_right_arithmetic3A_236 : i32 to vector<16xi32>
        %shift_right_arithmetic3A_238 = arith.shrsi %get3A_235, %shift_right_arithmetic3A_237 : vector<16xi32>
        %shift_left3A_239 = arith.constant 13 : i32
        %shift_left3A_240 = vector.broadcast %shift_left3A_239 : i32 to vector<16xi32>
        %shift_left3A_241 = arith.shli %shift_right_arithmetic3A_238, %shift_left3A_240 : vector<16xi32>
        %and3A_242 = arith.constant 7 : i32
        %and3A_243 = vector.broadcast %and3A_242 : i32 to vector<16xi32>
        %and3A_244 = arith.andi %get3A_235, %and3A_243 : vector<16xi32>
        %shift_left3A_245 = arith.constant 7 : i32
        %shift_left3A_246 = vector.broadcast %shift_left3A_245 : i32 to vector<16xi32>
        %shift_left3A_247 = arith.shli %and3A_244, %shift_left3A_246 : vector<16xi32>
        %add3A_248 = arith.addi %shift_left3A_241, %shift_left3A_247 : vector<16xi32>
        %add3A_249 = arith.addi %add3A_248, %add3A_231 : vector<16xi32>
        %swap3A_250 = arith.index_cast %add3A_112 : i32 to index
        %swap3A_251 = arith.constant 64 : index
        %swap3A_252 = tpu.vector_load %arg6[%swap3A_250, %swap3A_251] {strides = array<i32>} : memref<56x128xi32, #tpu.memory_space<vmem>>, vector<1x16xi32>,
        %swap3A_253 = vector.shape_cast %swap3A_252 : vector<1x16xi32> to vector<16xi32>
        %swap3A_254 = vector.shape_cast %add3A_249 : vector<16xi32> to vector<1x16xi32>
        tpu.vector_store %arg6[%swap3A_250, %swap3A_251], %swap3A_254 {strides = array<i32>} : memref<56x128xi32, #tpu.memory_space<vmem>>, vector<1x16xi32>,
        %mul3A_255 = arith.constant 1024 : i32
        %mul3A_256 = arith.muli %and3A_1, %mul3A_255 : i32
        %add3A_257 = arith.constant 80 : i32
        %add3A_258 = arith.addi %mul3A_256, %add3A_257 : i32
        %add3A_259 = vector.broadcast %add3A_258 : i32 to vector<16xi32>
        %add3A_260 = arith.addi %add3A_259, %iota3A : vector<16xi32>
        %get3A_261 = arith.index_cast %add3A_112 : i32 to index
        %get3A_262 = arith.constant 80 : index
        %get3A_263 = tpu.vector_load %arg5[%get3A_261, %get3A_262] {strides = array<i32>} : memref<56x128xi32, #tpu.memory_space<vmem>>, vector<1x16xi32>,
        %get3A_264 = vector.shape_cast %get3A_263 : vector<1x16xi32> to vector<16xi32>
        %shift_right_arithmetic3A_265 = arith.constant 3 : i32
        %shift_right_arithmetic3A_266 = vector.broadcast %shift_right_arithmetic3A_265 : i32 to vector<16xi32>
        %shift_right_arithmetic3A_267 = arith.shrsi %get3A_264, %shift_right_arithmetic3A_266 : vector<16xi32>
        %shift_left3A_268 = arith.constant 13 : i32
        %shift_left3A_269 = vector.broadcast %shift_left3A_268 : i32 to vector<16xi32>
        %shift_left3A_270 = arith.shli %shift_right_arithmetic3A_267, %shift_left3A_269 : vector<16xi32>
        %and3A_271 = arith.constant 7 : i32
        %and3A_272 = vector.broadcast %and3A_271 : i32 to vector<16xi32>
        %and3A_273 = arith.andi %get3A_264, %and3A_272 : vector<16xi32>
        %shift_left3A_274 = arith.constant 7 : i32
        %shift_left3A_275 = vector.broadcast %shift_left3A_274 : i32 to vector<16xi32>
        %shift_left3A_276 = arith.shli %and3A_273, %shift_left3A_275 : vector<16xi32>
        %add3A_277 = arith.addi %shift_left3A_270, %shift_left3A_276 : vector<16xi32>
        %add3A_278 = arith.addi %add3A_277, %add3A_260 : vector<16xi32>
        %swap3A_279 = arith.index_cast %add3A_112 : i32 to index
        %swap3A_280 = arith.constant 80 : index
        %swap3A_281 = tpu.vector_load %arg6[%swap3A_279, %swap3A_280] {strides = array<i32>} : memref<56x128xi32, #tpu.memory_space<vmem>>, vector<1x16xi32>,
        %swap3A_282 = vector.shape_cast %swap3A_281 : vector<1x16xi32> to vector<16xi32>
        %swap3A_283 = vector.shape_cast %add3A_278 : vector<16xi32> to vector<1x16xi32>
        tpu.vector_store %arg6[%swap3A_279, %swap3A_280], %swap3A_283 {strides = array<i32>} : memref<56x128xi32, #tpu.memory_space<vmem>>, vector<1x16xi32>,
        %mul3A_284 = arith.constant 1024 : i32
        %mul3A_285 = arith.muli %and3A_1, %mul3A_284 : i32
        %add3A_286 = arith.constant 96 : i32
        %add3A_287 = arith.addi %mul3A_285, %add3A_286 : i32
        %add3A_288 = vector.broadcast %add3A_287 : i32 to vector<16xi32>
        %add3A_289 = arith.addi %add3A_288, %iota3A : vector<16xi32>
        %get3A_290 = arith.index_cast %add3A_112 : i32 to index
        %get3A_291 = arith.constant 96 : index
        %get3A_292 = tpu.vector_load %arg5[%get3A_290, %get3A_291] {strides = array<i32>} : memref<56x128xi32, #tpu.memory_space<vmem>>, vector<1x16xi32>,
        %get3A_293 = vector.shape_cast %get3A_292 : vector<1x16xi32> to vector<16xi32>
        %shift_right_arithmetic3A_294 = arith.constant 3 : i32
        %shift_right_arithmetic3A_295 = vector.broadcast %shift_right_arithmetic3A_294 : i32 to vector<16xi32>
        %shift_right_arithmetic3A_296 = arith.shrsi %get3A_293, %shift_right_arithmetic3A_295 : vector<16xi32>
        %shift_left3A_297 = arith.constant 13 : i32
        %shift_left3A_298 = vector.broadcast %shift_left3A_297 : i32 to vector<16xi32>
        %shift_left3A_299 = arith.shli %shift_right_arithmetic3A_296, %shift_left3A_298 : vector<16xi32>
        %and3A_300 = arith.constant 7 : i32
        %and3A_301 = vector.broadcast %and3A_300 : i32 to vector<16xi32>
        %and3A_302 = arith.andi %get3A_293, %and3A_301 : vector<16xi32>
        %shift_left3A_303 = arith.constant 7 : i32
        %shift_left3A_304 = vector.broadcast %shift_left3A_303 : i32 to vector<16xi32>
        %shift_left3A_305 = arith.shli %and3A_302, %shift_left3A_304 : vector<16xi32>
        %add3A_306 = arith.addi %shift_left3A_299, %shift_left3A_305 : vector<16xi32>
        %add3A_307 = arith.addi %add3A_306, %add3A_289 : vector<16xi32>
        %swap3A_308 = arith.index_cast %add3A_112 : i32 to index
        %swap3A_309 = arith.constant 96 : index
        %swap3A_310 = tpu.vector_load %arg6[%swap3A_308, %swap3A_309] {strides = array<i32>} : memref<56x128xi32, #tpu.memory_space<vmem>>, vector<1x16xi32>,
        %swap3A_311 = vector.shape_cast %swap3A_310 : vector<1x16xi32> to vector<16xi32>
        %swap3A_312 = vector.shape_cast %add3A_307 : vector<16xi32> to vector<1x16xi32>
        tpu.vector_store %arg6[%swap3A_308, %swap3A_309], %swap3A_312 {strides = array<i32>} : memref<56x128xi32, #tpu.memory_space<vmem>>, vector<1x16xi32>,
        %mul3A_313 = arith.constant 1024 : i32
        %mul3A_314 = arith.muli %and3A_1, %mul3A_313 : i32
        %add3A_315 = arith.constant 112 : i32
        %add3A_316 = arith.addi %mul3A_314, %add3A_315 : i32
        %add3A_317 = vector.broadcast %add3A_316 : i32 to vector<16xi32>
        %add3A_318 = arith.addi %add3A_317, %iota3A : vector<16xi32>
        %get3A_319 = arith.index_cast %add3A_112 : i32 to index
        %get3A_320 = arith.constant 112 : index
        %get3A_321 = tpu.vector_load %arg5[%get3A_319, %get3A_320] {strides = array<i32>} : memref<56x128xi32, #tpu.memory_space<vmem>>, vector<1x16xi32>,
        %get3A_322 = vector.shape_cast %get3A_321 : vector<1x16xi32> to vector<16xi32>
        %shift_right_arithmetic3A_323 = arith.constant 3 : i32
        %shift_right_arithmetic3A_324 = vector.broadcast %shift_right_arithmetic3A_323 : i32 to vector<16xi32>
        %shift_right_arithmetic3A_325 = arith.shrsi %get3A_322, %shift_right_arithmetic3A_324 : vector<16xi32>
        %shift_left3A_326 = arith.constant 13 : i32
        %shift_left3A_327 = vector.broadcast %shift_left3A_326 : i32 to vector<16xi32>
        %shift_left3A_328 = arith.shli %shift_right_arithmetic3A_325, %shift_left3A_327 : vector<16xi32>
        %and3A_329 = arith.constant 7 : i32
        %and3A_330 = vector.broadcast %and3A_329 : i32 to vector<16xi32>
        %and3A_331 = arith.andi %get3A_322, %and3A_330 : vector<16xi32>
        %shift_left3A_332 = arith.constant 7 : i32
        %shift_left3A_333 = vector.broadcast %shift_left3A_332 : i32 to vector<16xi32>
        %shift_left3A_334 = arith.shli %and3A_331, %shift_left3A_333 : vector<16xi32>
        %add3A_335 = arith.addi %shift_left3A_328, %shift_left3A_334 : vector<16xi32>
        %add3A_336 = arith.addi %add3A_335, %add3A_318 : vector<16xi32>
        %swap3A_337 = arith.index_cast %add3A_112 : i32 to index
        %swap3A_338 = arith.constant 112 : index
        %swap3A_339 = tpu.vector_load %arg6[%swap3A_337, %swap3A_338] {strides = array<i32>} : memref<56x128xi32, #tpu.memory_space<vmem>>, vector<1x16xi32>,
        %swap3A_340 = vector.shape_cast %swap3A_339 : vector<1x16xi32> to vector<16xi32>
        %swap3A_341 = vector.shape_cast %add3A_336 : vector<16xi32> to vector<1x16xi32>
        tpu.vector_store %arg6[%swap3A_337, %swap3A_338], %swap3A_341 {strides = array<i32>} : memref<56x128xi32, #tpu.memory_space<vmem>>, vector<1x16xi32>,
        %dma_start3A = arith.constant 0 : i32
        %dma_start3A_342 = tpu.memref_slice %arg7[%add3A_112, %dma_start3A] : memref<56x128xf32, #tpu.memory_space<vmem>> -> memref<1x128xf32, #tpu.memory_space<vmem>>
        %dma_start3A_343 = tpu.memref_squeeze %dma_start3A_342 : memref<1x128xf32, #tpu.memory_space<vmem>> -> memref<128xf32, #tpu.memory_space<vmem>>
        %dma_start3A_344 = arith.constant 0 : i32
        %dma_start3A_345 = tpu.memref_slice %arg6[%add3A_112, %dma_start3A_344] : memref<56x128xi32, #tpu.memory_space<vmem>> -> memref<1x128xi32, #tpu.memory_space<vmem>>
        %dma_start3A_346 = tpu.memref_squeeze %dma_start3A_345 : memref<1x128xi32, #tpu.memory_space<vmem>> -> memref<128xi32, #tpu.memory_space<vmem>>
        %dma_start3A_347 = arith.constant 0 : i32
        %dma_start3A_348 = tpu.memref_slice %arg2[%while3A_39, %dma_start3A_347] : memref<100000x1024xf32, #tpu.memory_space<hbm>> -> memref<1x128xf32, #tpu.memory_space<hbm>>
        %dma_start3A_349 = tpu.memref_squeeze %dma_start3A_348 : memref<1x128xf32, #tpu.memory_space<hbm>> -> memref<128xf32, #tpu.memory_space<hbm>>
        %dma_start3A_350 = arith.constant 0 : i32
        %dma_start3A_351 = tpu.memref_slice %dma_start3A_349[%dma_start3A_350] : memref<128xf32, #tpu.memory_space<hbm>> -> memref<128xf32, #tpu.memory_space<hbm>>
        tpu.enqueue_indirect_dma source(%dma_start3A_351 : memref<128xf32, #tpu.memory_space<hbm>>) target(%dma_start3A_343 : memref<128xf32, #tpu.memory_space<vmem>>) offsets(%dma_start3A_346 : memref<128xi32, #tpu.memory_space<vmem>>) semaphore(%arg8 : memref<!tpu.dma_semaphore, #tpu.memory_space<semaphore_mem>>)
      }
    }
    %while3A_48 = arith.constant 1 : i32
    scf.for %while3A_71 = %while3A_46 to %while3A_42 step %while3A_48  : i32 {
      %mul3A_72 = arith.muli %while3A_71, %while3A_37 : i32
      %add3A_73 = arith.addi %while3A_38, %mul3A_72 : i32
      %mul3A_74 = arith.constant 8 : i32
      %mul3A_75 = arith.muli %add3A_73, %mul3A_74 : i32
      %add3A_76 = arith.addi %add3A_8, %mul3A_75 : i32
      %mul3A_77 = arith.constant 128 : i32
      %mul3A_78 = arith.muli %and3A_1, %mul3A_77 : i32
      %mul3A_79 = arith.constant 8 : i32
      %mul3A_80 = arith.muli %add3A_73, %mul3A_79 : i32
      %dma_wait3A_81 = arith.constant 0 : i32
      %dma_wait3A_82 = tpu.memref_slice %arg5[%mul3A_80, %dma_wait3A_81] : memref<56x128xi32, #tpu.memory_space<vmem>> -> memref<8x128xi32, #tpu.memory_space<vmem>>
      %dma_wait3A_83 = tpu.memref_slice %arg3[%add3A_76, %mul3A_78] : memref<200x1024xi32, #tpu.memory_space<hbm>> -> memref<8x128xi32, #tpu.memory_space<hbm>>
      %dma_wait3A_84 = arith.constant 0 : i32
      %dma_wait3A_85 = tpu.memref_slice %arg5[%mul3A_80, %dma_wait3A_84] : memref<56x128xi32, #tpu.memory_space<vmem>> -> memref<8x128xi32, #tpu.memory_space<vmem>>
      %dma_wait3A_86 = tpu.memref_slice %arg3[%add3A_76, %mul3A_78] : memref<200x1024xi32, #tpu.memory_space<hbm>> -> memref<8x128xi32, #tpu.memory_space<hbm>>
      tpu.wait_dma2 semaphore(%arg9 : memref<!tpu.dma_semaphore, #tpu.memory_space<semaphore_mem>>) src(%dma_wait3A_86 : memref<8x128xi32, #tpu.memory_space<hbm>>) dst(%dma_wait3A_85 : memref<8x128xi32, #tpu.memory_space<vmem>>)
      %mul3A_87 = arith.constant 8 : i32
      %mul3A_88 = arith.muli %add3A_73, %mul3A_87 : i32
      %mul3A_89 = arith.constant 8 : i32
      %mul3A_90 = arith.muli %add3A_73, %mul3A_89 : i32
      %add3A_91 = arith.constant 8 : i32
      %add3A_92 = arith.addi %mul3A_90, %add3A_91 : i32
      %sub3A_93 = arith.subi %add3A_92, %mul3A_88 : i32
      %sub3A_94 = arith.constant 1 : i32
      %sub3A_95 = arith.constant 1 : i32
      %sub3A_96 = arith.subi %sub3A_94, %sub3A_95 : i32
      %add3A_97 = arith.addi %sub3A_93, %sub3A_96 : i32
      %div3A_98 = arith.constant 1 : i32
      %div3A_99 = arith.divsi %add3A_97, %div3A_98 : i32
      %while3A_100 = arith.constant 1 : i32
      %while3A_101 = arith.constant 0 : i32
      %while3A_102 = arith.subi %div3A_99, %while3A_101 : i32
      %while3A_103 = arith.addi %while3A_101, %while3A_102 : i32
      %while3A_104 = arith.constant 1 : i32
      %while3A_105 = arith.divsi %while3A_102, %while3A_104 : i32
      %while3A_106 = arith.muli %while3A_105, %while3A_104 : i32
      %while3A_107 = arith.addi %while3A_101, %while3A_106 : i32
      %while3A_108 = arith.constant 1 : i32
      scf.for %while3A_110 = %while3A_101 to %while3A_107 step %while3A_108  : i32 {
        %mul3A_111 = arith.muli %while3A_110, %while3A_100 : i32
        %add3A_112 = arith.addi %mul3A_88, %mul3A_111 : i32
        %mul3A_113 = arith.constant 1024 : i32
        %mul3A_114 = arith.muli %and3A_1, %mul3A_113 : i32
        %add3A_115 = arith.constant 0 : i32
        %add3A_116 = arith.addi %mul3A_114, %add3A_115 : i32
        %add3A_117 = vector.broadcast %add3A_116 : i32 to vector<16xi32>
        %add3A_118 = arith.addi %add3A_117, %iota3A : vector<16xi32>
        %get3A = arith.index_cast %add3A_112 : i32 to index
        %get3A_119 = arith.constant 0 : index
        %get3A_120 = tpu.vector_load %arg5[%get3A, %get3A_119] {strides = array<i32>} : memref<56x128xi32, #tpu.memory_space<vmem>>, vector<1x16xi32>,
        %get3A_121 = vector.shape_cast %get3A_120 : vector<1x16xi32> to vector<16xi32>
        %shift_right_arithmetic3A_122 = arith.constant 3 : i32
        %shift_right_arithmetic3A_123 = vector.broadcast %shift_right_arithmetic3A_122 : i32 to vector<16xi32>
        %shift_right_arithmetic3A_124 = arith.shrsi %get3A_121, %shift_right_arithmetic3A_123 : vector<16xi32>
        %shift_left3A = arith.constant 13 : i32
        %shift_left3A_125 = vector.broadcast %shift_left3A : i32 to vector<16xi32>
        %shift_left3A_126 = arith.shli %shift_right_arithmetic3A_124, %shift_left3A_125 : vector<16xi32>
        %and3A_127 = arith.constant 7 : i32
        %and3A_128 = vector.broadcast %and3A_127 : i32 to vector<16xi32>
        %and3A_129 = arith.andi %get3A_121, %and3A_128 : vector<16xi32>
        %shift_left3A_130 = arith.constant 7 : i32
        %shift_left3A_131 = vector.broadcast %shift_left3A_130 : i32 to vector<16xi32>
        %shift_left3A_132 = arith.shli %and3A_129, %shift_left3A_131 : vector<16xi32>
        %add3A_133 = arith.addi %shift_left3A_126, %shift_left3A_132 : vector<16xi32>
        %add3A_134 = arith.addi %add3A_133, %add3A_118 : vector<16xi32>
        %swap3A = arith.index_cast %add3A_112 : i32 to index
        %swap3A_135 = arith.constant 0 : index
        %swap3A_136 = tpu.vector_load %arg6[%swap3A, %swap3A_135] {strides = array<i32>} : memref<56x128xi32, #tpu.memory_space<vmem>>, vector<1x16xi32>,
        %swap3A_137 = vector.shape_cast %swap3A_136 : vector<1x16xi32> to vector<16xi32>
        %swap3A_138 = vector.shape_cast %add3A_134 : vector<16xi32> to vector<1x16xi32>
        tpu.vector_store %arg6[%swap3A, %swap3A_135], %swap3A_138 {strides = array<i32>} : memref<56x128xi32, #tpu.memory_space<vmem>>, vector<1x16xi32>,
        %mul3A_139 = arith.constant 1024 : i32
        %mul3A_140 = arith.muli %and3A_1, %mul3A_139 : i32
        %add3A_141 = arith.constant 16 : i32
        %add3A_142 = arith.addi %mul3A_140, %add3A_141 : i32
        %add3A_143 = vector.broadcast %add3A_142 : i32 to vector<16xi32>
        %add3A_144 = arith.addi %add3A_143, %iota3A : vector<16xi32>
        %get3A_145 = arith.index_cast %add3A_112 : i32 to index
        %get3A_146 = arith.constant 16 : index
        %get3A_147 = tpu.vector_load %arg5[%get3A_145, %get3A_146] {strides = array<i32>} : memref<56x128xi32, #tpu.memory_space<vmem>>, vector<1x16xi32>,
        %get3A_148 = vector.shape_cast %get3A_147 : vector<1x16xi32> to vector<16xi32>
        %shift_right_arithmetic3A_149 = arith.constant 3 : i32
        %shift_right_arithmetic3A_150 = vector.broadcast %shift_right_arithmetic3A_149 : i32 to vector<16xi32>
        %shift_right_arithmetic3A_151 = arith.shrsi %get3A_148, %shift_right_arithmetic3A_150 : vector<16xi32>
        %shift_left3A_152 = arith.constant 13 : i32
        %shift_left3A_153 = vector.broadcast %shift_left3A_152 : i32 to vector<16xi32>
        %shift_left3A_154 = arith.shli %shift_right_arithmetic3A_151, %shift_left3A_153 : vector<16xi32>
        %and3A_155 = arith.constant 7 : i32
        %and3A_156 = vector.broadcast %and3A_155 : i32 to vector<16xi32>
        %and3A_157 = arith.andi %get3A_148, %and3A_156 : vector<16xi32>
        %shift_left3A_158 = arith.constant 7 : i32
        %shift_left3A_159 = vector.broadcast %shift_left3A_158 : i32 to vector<16xi32>
        %shift_left3A_160 = arith.shli %and3A_157, %shift_left3A_159 : vector<16xi32>
        %add3A_161 = arith.addi %shift_left3A_154, %shift_left3A_160 : vector<16xi32>
        %add3A_162 = arith.addi %add3A_161, %add3A_144 : vector<16xi32>
        %swap3A_163 = arith.index_cast %add3A_112 : i32 to index
        %swap3A_164 = arith.constant 16 : index
        %swap3A_165 = tpu.vector_load %arg6[%swap3A_163, %swap3A_164] {strides = array<i32>} : memref<56x128xi32, #tpu.memory_space<vmem>>, vector<1x16xi32>,
        %swap3A_166 = vector.shape_cast %swap3A_165 : vector<1x16xi32> to vector<16xi32>
        %swap3A_167 = vector.shape_cast %add3A_162 : vector<16xi32> to vector<1x16xi32>
        tpu.vector_store %arg6[%swap3A_163, %swap3A_164], %swap3A_167 {strides = array<i32>} : memref<56x128xi32, #tpu.memory_space<vmem>>, vector<1x16xi32>,
        %mul3A_168 = arith.constant 1024 : i32
        %mul3A_169 = arith.muli %and3A_1, %mul3A_168 : i32
        %add3A_170 = arith.constant 32 : i32
        %add3A_171 = arith.addi %mul3A_169, %add3A_170 : i32
        %add3A_172 = vector.broadcast %add3A_171 : i32 to vector<16xi32>
        %add3A_173 = arith.addi %add3A_172, %iota3A : vector<16xi32>
        %get3A_174 = arith.index_cast %add3A_112 : i32 to index
        %get3A_175 = arith.constant 32 : index
        %get3A_176 = tpu.vector_load %arg5[%get3A_174, %get3A_175] {strides = array<i32>} : memref<56x128xi32, #tpu.memory_space<vmem>>, vector<1x16xi32>,
        %get3A_177 = vector.shape_cast %get3A_176 : vector<1x16xi32> to vector<16xi32>
        %shift_right_arithmetic3A_178 = arith.constant 3 : i32
        %shift_right_arithmetic3A_179 = vector.broadcast %shift_right_arithmetic3A_178 : i32 to vector<16xi32>
        %shift_right_arithmetic3A_180 = arith.shrsi %get3A_177, %shift_right_arithmetic3A_179 : vector<16xi32>
        %shift_left3A_181 = arith.constant 13 : i32
        %shift_left3A_182 = vector.broadcast %shift_left3A_181 : i32 to vector<16xi32>
        %shift_left3A_183 = arith.shli %shift_right_arithmetic3A_180, %shift_left3A_182 : vector<16xi32>
        %and3A_184 = arith.constant 7 : i32
        %and3A_185 = vector.broadcast %and3A_184 : i32 to vector<16xi32>
        %and3A_186 = arith.andi %get3A_177, %and3A_185 : vector<16xi32>
        %shift_left3A_187 = arith.constant 7 : i32
        %shift_left3A_188 = vector.broadcast %shift_left3A_187 : i32 to vector<16xi32>
        %shift_left3A_189 = arith.shli %and3A_186, %shift_left3A_188 : vector<16xi32>
        %add3A_190 = arith.addi %shift_left3A_183, %shift_left3A_189 : vector<16xi32>
        %add3A_191 = arith.addi %add3A_190, %add3A_173 : vector<16xi32>
        %swap3A_192 = arith.index_cast %add3A_112 : i32 to index
        %swap3A_193 = arith.constant 32 : index
        %swap3A_194 = tpu.vector_load %arg6[%swap3A_192, %swap3A_193] {strides = array<i32>} : memref<56x128xi32, #tpu.memory_space<vmem>>, vector<1x16xi32>,
        %swap3A_195 = vector.shape_cast %swap3A_194 : vector<1x16xi32> to vector<16xi32>
        %swap3A_196 = vector.shape_cast %add3A_191 : vector<16xi32> to vector<1x16xi32>
        tpu.vector_store %arg6[%swap3A_192, %swap3A_193], %swap3A_196 {strides = array<i32>} : memref<56x128xi32, #tpu.memory_space<vmem>>, vector<1x16xi32>,
        %mul3A_197 = arith.constant 1024 : i32
        %mul3A_198 = arith.muli %and3A_1, %mul3A_197 : i32
        %add3A_199 = arith.constant 48 : i32
        %add3A_200 = arith.addi %mul3A_198, %add3A_199 : i32
        %add3A_201 = vector.broadcast %add3A_200 : i32 to vector<16xi32>
        %add3A_202 = arith.addi %add3A_201, %iota3A : vector<16xi32>
        %get3A_203 = arith.index_cast %add3A_112 : i32 to index
        %get3A_204 = arith.constant 48 : index
        %get3A_205 = tpu.vector_load %arg5[%get3A_203, %get3A_204] {strides = array<i32>} : memref<56x128xi32, #tpu.memory_space<vmem>>, vector<1x16xi32>,
        %get3A_206 = vector.shape_cast %get3A_205 : vector<1x16xi32> to vector<16xi32>
        %shift_right_arithmetic3A_207 = arith.constant 3 : i32
        %shift_right_arithmetic3A_208 = vector.broadcast %shift_right_arithmetic3A_207 : i32 to vector<16xi32>
        %shift_right_arithmetic3A_209 = arith.shrsi %get3A_206, %shift_right_arithmetic3A_208 : vector<16xi32>
        %shift_left3A_210 = arith.constant 13 : i32
        %shift_left3A_211 = vector.broadcast %shift_left3A_210 : i32 to vector<16xi32>
        %shift_left3A_212 = arith.shli %shift_right_arithmetic3A_209, %shift_left3A_211 : vector<16xi32>
        %and3A_213 = arith.constant 7 : i32
        %and3A_214 = vector.broadcast %and3A_213 : i32 to vector<16xi32>
        %and3A_215 = arith.andi %get3A_206, %and3A_214 : vector<16xi32>
        %shift_left3A_216 = arith.constant 7 : i32
        %shift_left3A_217 = vector.broadcast %shift_left3A_216 : i32 to vector<16xi32>
        %shift_left3A_218 = arith.shli %and3A_215, %shift_left3A_217 : vector<16xi32>
        %add3A_219 = arith.addi %shift_left3A_212, %shift_left3A_218 : vector<16xi32>
        %add3A_220 = arith.addi %add3A_219, %add3A_202 : vector<16xi32>
        %swap3A_221 = arith.index_cast %add3A_112 : i32 to index
        %swap3A_222 = arith.constant 48 : index
        %swap3A_223 = tpu.vector_load %arg6[%swap3A_221, %swap3A_222] {strides = array<i32>} : memref<56x128xi32, #tpu.memory_space<vmem>>, vector<1x16xi32>,
        %swap3A_224 = vector.shape_cast %swap3A_223 : vector<1x16xi32> to vector<16xi32>
        %swap3A_225 = vector.shape_cast %add3A_220 : vector<16xi32> to vector<1x16xi32>
        tpu.vector_store %arg6[%swap3A_221, %swap3A_222], %swap3A_225 {strides = array<i32>} : memref<56x128xi32, #tpu.memory_space<vmem>>, vector<1x16xi32>,
        %mul3A_226 = arith.constant 1024 : i32
        %mul3A_227 = arith.muli %and3A_1, %mul3A_226 : i32
        %add3A_228 = arith.constant 64 : i32
        %add3A_229 = arith.addi %mul3A_227, %add3A_228 : i32
        %add3A_230 = vector.broadcast %add3A_229 : i32 to vector<16xi32>
        %add3A_231 = arith.addi %add3A_230, %iota3A : vector<16xi32>
        %get3A_232 = arith.index_cast %add3A_112 : i32 to index
        %get3A_233 = arith.constant 64 : index
        %get3A_234 = tpu.vector_load %arg5[%get3A_232, %get3A_233] {strides = array<i32>} : memref<56x128xi32, #tpu.memory_space<vmem>>, vector<1x16xi32>,
        %get3A_235 = vector.shape_cast %get3A_234 : vector<1x16xi32> to vector<16xi32>
        %shift_right_arithmetic3A_236 = arith.constant 3 : i32
        %shift_right_arithmetic3A_237 = vector.broadcast %shift_right_arithmetic3A_236 : i32 to vector<16xi32>
        %shift_right_arithmetic3A_238 = arith.shrsi %get3A_235, %shift_right_arithmetic3A_237 : vector<16xi32>
        %shift_left3A_239 = arith.constant 13 : i32
        %shift_left3A_240 = vector.broadcast %shift_left3A_239 : i32 to vector<16xi32>
        %shift_left3A_241 = arith.shli %shift_right_arithmetic3A_238, %shift_left3A_240 : vector<16xi32>
        %and3A_242 = arith.constant 7 : i32
        %and3A_243 = vector.broadcast %and3A_242 : i32 to vector<16xi32>
        %and3A_244 = arith.andi %get3A_235, %and3A_243 : vector<16xi32>
        %shift_left3A_245 = arith.constant 7 : i32
        %shift_left3A_246 = vector.broadcast %shift_left3A_245 : i32 to vector<16xi32>
        %shift_left3A_247 = arith.shli %and3A_244, %shift_left3A_246 : vector<16xi32>
        %add3A_248 = arith.addi %shift_left3A_241, %shift_left3A_247 : vector<16xi32>
        %add3A_249 = arith.addi %add3A_248, %add3A_231 : vector<16xi32>
        %swap3A_250 = arith.index_cast %add3A_112 : i32 to index
        %swap3A_251 = arith.constant 64 : index
        %swap3A_252 = tpu.vector_load %arg6[%swap3A_250, %swap3A_251] {strides = array<i32>} : memref<56x128xi32, #tpu.memory_space<vmem>>, vector<1x16xi32>,
        %swap3A_253 = vector.shape_cast %swap3A_252 : vector<1x16xi32> to vector<16xi32>
        %swap3A_254 = vector.shape_cast %add3A_249 : vector<16xi32> to vector<1x16xi32>
        tpu.vector_store %arg6[%swap3A_250, %swap3A_251], %swap3A_254 {strides = array<i32>} : memref<56x128xi32, #tpu.memory_space<vmem>>, vector<1x16xi32>,
        %mul3A_255 = arith.constant 1024 : i32
        %mul3A_256 = arith.muli %and3A_1, %mul3A_255 : i32
        %add3A_257 = arith.constant 80 : i32
        %add3A_258 = arith.addi %mul3A_256, %add3A_257 : i32
        %add3A_259 = vector.broadcast %add3A_258 : i32 to vector<16xi32>
        %add3A_260 = arith.addi %add3A_259, %iota3A : vector<16xi32>
        %get3A_261 = arith.index_cast %add3A_112 : i32 to index
        %get3A_262 = arith.constant 80 : index
        %get3A_263 = tpu.vector_load %arg5[%get3A_261, %get3A_262] {strides = array<i32>} : memref<56x128xi32, #tpu.memory_space<vmem>>, vector<1x16xi32>,
        %get3A_264 = vector.shape_cast %get3A_263 : vector<1x16xi32> to vector<16xi32>
        %shift_right_arithmetic3A_265 = arith.constant 3 : i32
        %shift_right_arithmetic3A_266 = vector.broadcast %shift_right_arithmetic3A_265 : i32 to vector<16xi32>
        %shift_right_arithmetic3A_267 = arith.shrsi %get3A_264, %shift_right_arithmetic3A_266 : vector<16xi32>
        %shift_left3A_268 = arith.constant 13 : i32
        %shift_left3A_269 = vector.broadcast %shift_left3A_268 : i32 to vector<16xi32>
        %shift_left3A_270 = arith.shli %shift_right_arithmetic3A_267, %shift_left3A_269 : vector<16xi32>
        %and3A_271 = arith.constant 7 : i32
        %and3A_272 = vector.broadcast %and3A_271 : i32 to vector<16xi32>
        %and3A_273 = arith.andi %get3A_264, %and3A_272 : vector<16xi32>
        %shift_left3A_274 = arith.constant 7 : i32
        %shift_left3A_275 = vector.broadcast %shift_left3A_274 : i32 to vector<16xi32>
        %shift_left3A_276 = arith.shli %and3A_273, %shift_left3A_275 : vector<16xi32>
        %add3A_277 = arith.addi %shift_left3A_270, %shift_left3A_276 : vector<16xi32>
        %add3A_278 = arith.addi %add3A_277, %add3A_260 : vector<16xi32>
        %swap3A_279 = arith.index_cast %add3A_112 : i32 to index
        %swap3A_280 = arith.constant 80 : index
        %swap3A_281 = tpu.vector_load %arg6[%swap3A_279, %swap3A_280] {strides = array<i32>} : memref<56x128xi32, #tpu.memory_space<vmem>>, vector<1x16xi32>,
        %swap3A_282 = vector.shape_cast %swap3A_281 : vector<1x16xi32> to vector<16xi32>
        %swap3A_283 = vector.shape_cast %add3A_278 : vector<16xi32> to vector<1x16xi32>
        tpu.vector_store %arg6[%swap3A_279, %swap3A_280], %swap3A_283 {strides = array<i32>} : memref<56x128xi32, #tpu.memory_space<vmem>>, vector<1x16xi32>,
        %mul3A_284 = arith.constant 1024 : i32
        %mul3A_285 = arith.muli %and3A_1, %mul3A_284 : i32
        %add3A_286 = arith.constant 96 : i32
        %add3A_287 = arith.addi %mul3A_285, %add3A_286 : i32
        %add3A_288 = vector.broadcast %add3A_287 : i32 to vector<16xi32>
        %add3A_289 = arith.addi %add3A_288, %iota3A : vector<16xi32>
        %get3A_290 = arith.index_cast %add3A_112 : i32 to index
        %get3A_291 = arith.constant 96 : index
        %get3A_292 = tpu.vector_load %arg5[%get3A_290, %get3A_291] {strides = array<i32>} : memref<56x128xi32, #tpu.memory_space<vmem>>, vector<1x16xi32>,
        %get3A_293 = vector.shape_cast %get3A_292 : vector<1x16xi32> to vector<16xi32>
        %shift_right_arithmetic3A_294 = arith.constant 3 : i32
        %shift_right_arithmetic3A_295 = vector.broadcast %shift_right_arithmetic3A_294 : i32 to vector<16xi32>
        %shift_right_arithmetic3A_296 = arith.shrsi %get3A_293, %shift_right_arithmetic3A_295 : vector<16xi32>
        %shift_left3A_297 = arith.constant 13 : i32
        %shift_left3A_298 = vector.broadcast %shift_left3A_297 : i32 to vector<16xi32>
        %shift_left3A_299 = arith.shli %shift_right_arithmetic3A_296, %shift_left3A_298 : vector<16xi32>
        %and3A_300 = arith.constant 7 : i32
        %and3A_301 = vector.broadcast %and3A_300 : i32 to vector<16xi32>
        %and3A_302 = arith.andi %get3A_293, %and3A_301 : vector<16xi32>
        %shift_left3A_303 = arith.constant 7 : i32
        %shift_left3A_304 = vector.broadcast %shift_left3A_303 : i32 to vector<16xi32>
        %shift_left3A_305 = arith.shli %and3A_302, %shift_left3A_304 : vector<16xi32>
        %add3A_306 = arith.addi %shift_left3A_299, %shift_left3A_305 : vector<16xi32>
        %add3A_307 = arith.addi %add3A_306, %add3A_289 : vector<16xi32>
        %swap3A_308 = arith.index_cast %add3A_112 : i32 to index
        %swap3A_309 = arith.constant 96 : index
        %swap3A_310 = tpu.vector_load %arg6[%swap3A_308, %swap3A_309] {strides = array<i32>} : memref<56x128xi32, #tpu.memory_space<vmem>>, vector<1x16xi32>,
        %swap3A_311 = vector.shape_cast %swap3A_310 : vector<1x16xi32> to vector<16xi32>
        %swap3A_312 = vector.shape_cast %add3A_307 : vector<16xi32> to vector<1x16xi32>
        tpu.vector_store %arg6[%swap3A_308, %swap3A_309], %swap3A_312 {strides = array<i32>} : memref<56x128xi32, #tpu.memory_space<vmem>>, vector<1x16xi32>,
        %mul3A_313 = arith.constant 1024 : i32
        %mul3A_314 = arith.muli %and3A_1, %mul3A_313 : i32
        %add3A_315 = arith.constant 112 : i32
        %add3A_316 = arith.addi %mul3A_314, %add3A_315 : i32
        %add3A_317 = vector.broadcast %add3A_316 : i32 to vector<16xi32>
        %add3A_318 = arith.addi %add3A_317, %iota3A : vector<16xi32>
        %get3A_319 = arith.index_cast %add3A_112 : i32 to index
        %get3A_320 = arith.constant 112 : index
        %get3A_321 = tpu.vector_load %arg5[%get3A_319, %get3A_320] {strides = array<i32>} : memref<56x128xi32, #tpu.memory_space<vmem>>, vector<1x16xi32>,
        %get3A_322 = vector.shape_cast %get3A_321 : vector<1x16xi32> to vector<16xi32>
        %shift_right_arithmetic3A_323 = arith.constant 3 : i32
        %shift_right_arithmetic3A_324 = vector.broadcast %shift_right_arithmetic3A_323 : i32 to vector<16xi32>
        %shift_right_arithmetic3A_325 = arith.shrsi %get3A_322, %shift_right_arithmetic3A_324 : vector<16xi32>
        %shift_left3A_326 = arith.constant 13 : i32
        %shift_left3A_327 = vector.broadcast %shift_left3A_326 : i32 to vector<16xi32>
        %shift_left3A_328 = arith.shli %shift_right_arithmetic3A_325, %shift_left3A_327 : vector<16xi32>
        %and3A_329 = arith.constant 7 : i32
        %and3A_330 = vector.broadcast %and3A_329 : i32 to vector<16xi32>
        %and3A_331 = arith.andi %get3A_322, %and3A_330 : vector<16xi32>
        %shift_left3A_332 = arith.constant 7 : i32
        %shift_left3A_333 = vector.broadcast %shift_left3A_332 : i32 to vector<16xi32>
        %shift_left3A_334 = arith.shli %and3A_331, %shift_left3A_333 : vector<16xi32>
        %add3A_335 = arith.addi %shift_left3A_328, %shift_left3A_334 : vector<16xi32>
        %add3A_336 = arith.addi %add3A_335, %add3A_318 : vector<16xi32>
        %swap3A_337 = arith.index_cast %add3A_112 : i32 to index
        %swap3A_338 = arith.constant 112 : index
        %swap3A_339 = tpu.vector_load %arg6[%swap3A_337, %swap3A_338] {strides = array<i32>} : memref<56x128xi32, #tpu.memory_space<vmem>>, vector<1x16xi32>,
        %swap3A_340 = vector.shape_cast %swap3A_339 : vector<1x16xi32> to vector<16xi32>
        %swap3A_341 = vector.shape_cast %add3A_336 : vector<16xi32> to vector<1x16xi32>
        tpu.vector_store %arg6[%swap3A_337, %swap3A_338], %swap3A_341 {strides = array<i32>} : memref<56x128xi32, #tpu.memory_space<vmem>>, vector<1x16xi32>,
        %dma_start3A = arith.constant 0 : i32
        %dma_start3A_342 = tpu.memref_slice %arg7[%add3A_112, %dma_start3A] : memref<56x128xf32, #tpu.memory_space<vmem>> -> memref<1x128xf32, #tpu.memory_space<vmem>>
        %dma_start3A_343 = tpu.memref_squeeze %dma_start3A_342 : memref<1x128xf32, #tpu.memory_space<vmem>> -> memref<128xf32, #tpu.memory_space<vmem>>
        %dma_start3A_344 = arith.constant 0 : i32
        %dma_start3A_345 = tpu.memref_slice %arg6[%add3A_112, %dma_start3A_344] : memref<56x128xi32, #tpu.memory_space<vmem>> -> memref<1x128xi32, #tpu.memory_space<vmem>>
        %dma_start3A_346 = tpu.memref_squeeze %dma_start3A_345 : memref<1x128xi32, #tpu.memory_space<vmem>> -> memref<128xi32, #tpu.memory_space<vmem>>
        %dma_start3A_347 = arith.constant 0 : i32
        %dma_start3A_348 = tpu.memref_slice %arg2[%while3A_39, %dma_start3A_347] : memref<100000x1024xf32, #tpu.memory_space<hbm>> -> memref<1x128xf32, #tpu.memory_space<hbm>>
        %dma_start3A_349 = tpu.memref_squeeze %dma_start3A_348 : memref<1x128xf32, #tpu.memory_space<hbm>> -> memref<128xf32, #tpu.memory_space<hbm>>
        %dma_start3A_350 = arith.constant 0 : i32
        %dma_start3A_351 = tpu.memref_slice %dma_start3A_349[%dma_start3A_350] : memref<128xf32, #tpu.memory_space<hbm>> -> memref<128xf32, #tpu.memory_space<hbm>>
        tpu.enqueue_indirect_dma source(%dma_start3A_351 : memref<128xf32, #tpu.memory_space<hbm>>) target(%dma_start3A_343 : memref<128xf32, #tpu.memory_space<vmem>>) offsets(%dma_start3A_346 : memref<128xi32, #tpu.memory_space<vmem>>) semaphore(%arg8 : memref<!tpu.dma_semaphore, #tpu.memory_space<semaphore_mem>>)
      }
      %while3A_109 = arith.constant 1 : i32
      scf.for %while3A_110 = %while3A_107 to %while3A_103 step %while3A_109  : i32 {
        %mul3A_111 = arith.muli %while3A_110, %while3A_100 : i32
        %add3A_112 = arith.addi %mul3A_88, %mul3A_111 : i32
        %mul3A_113 = arith.constant 1024 : i32
        %mul3A_114 = arith.muli %and3A_1, %mul3A_113 : i32
        %add3A_115 = arith.constant 0 : i32
        %add3A_116 = arith.addi %mul3A_114, %add3A_115 : i32
        %add3A_117 = vector.broadcast %add3A_116 : i32 to vector<16xi32>
        %add3A_118 = arith.addi %add3A_117, %iota3A : vector<16xi32>
        %get3A = arith.index_cast %add3A_112 : i32 to index
        %get3A_119 = arith.constant 0 : index
        %get3A_120 = tpu.vector_load %arg5[%get3A, %get3A_119] {strides = array<i32>} : memref<56x128xi32, #tpu.memory_space<vmem>>, vector<1x16xi32>,
        %get3A_121 = vector.shape_cast %get3A_120 : vector<1x16xi32> to vector<16xi32>
        %shift_right_arithmetic3A_122 = arith.constant 3 : i32
        %shift_right_arithmetic3A_123 = vector.broadcast %shift_right_arithmetic3A_122 : i32 to vector<16xi32>
        %shift_right_arithmetic3A_124 = arith.shrsi %get3A_121, %shift_right_arithmetic3A_123 : vector<16xi32>
        %shift_left3A = arith.constant 13 : i32
        %shift_left3A_125 = vector.broadcast %shift_left3A : i32 to vector<16xi32>
        %shift_left3A_126 = arith.shli %shift_right_arithmetic3A_124, %shift_left3A_125 : vector<16xi32>
        %and3A_127 = arith.constant 7 : i32
        %and3A_128 = vector.broadcast %and3A_127 : i32 to vector<16xi32>
        %and3A_129 = arith.andi %get3A_121, %and3A_128 : vector<16xi32>
        %shift_left3A_130 = arith.constant 7 : i32
        %shift_left3A_131 = vector.broadcast %shift_left3A_130 : i32 to vector<16xi32>
        %shift_left3A_132 = arith.shli %and3A_129, %shift_left3A_131 : vector<16xi32>
        %add3A_133 = arith.addi %shift_left3A_126, %shift_left3A_132 : vector<16xi32>
        %add3A_134 = arith.addi %add3A_133, %add3A_118 : vector<16xi32>
        %swap3A = arith.index_cast %add3A_112 : i32 to index
        %swap3A_135 = arith.constant 0 : index
        %swap3A_136 = tpu.vector_load %arg6[%swap3A, %swap3A_135] {strides = array<i32>} : memref<56x128xi32, #tpu.memory_space<vmem>>, vector<1x16xi32>,
        %swap3A_137 = vector.shape_cast %swap3A_136 : vector<1x16xi32> to vector<16xi32>
        %swap3A_138 = vector.shape_cast %add3A_134 : vector<16xi32> to vector<1x16xi32>
        tpu.vector_store %arg6[%swap3A, %swap3A_135], %swap3A_138 {strides = array<i32>} : memref<56x128xi32, #tpu.memory_space<vmem>>, vector<1x16xi32>,
        %mul3A_139 = arith.constant 1024 : i32
        %mul3A_140 = arith.muli %and3A_1, %mul3A_139 : i32
        %add3A_141 = arith.constant 16 : i32
        %add3A_142 = arith.addi %mul3A_140, %add3A_141 : i32
        %add3A_143 = vector.broadcast %add3A_142 : i32 to vector<16xi32>
        %add3A_144 = arith.addi %add3A_143, %iota3A : vector<16xi32>
        %get3A_145 = arith.index_cast %add3A_112 : i32 to index
        %get3A_146 = arith.constant 16 : index
        %get3A_147 = tpu.vector_load %arg5[%get3A_145, %get3A_146] {strides = array<i32>} : memref<56x128xi32, #tpu.memory_space<vmem>>, vector<1x16xi32>,
        %get3A_148 = vector.shape_cast %get3A_147 : vector<1x16xi32> to vector<16xi32>
        %shift_right_arithmetic3A_149 = arith.constant 3 : i32
        %shift_right_arithmetic3A_150 = vector.broadcast %shift_right_arithmetic3A_149 : i32 to vector<16xi32>
        %shift_right_arithmetic3A_151 = arith.shrsi %get3A_148, %shift_right_arithmetic3A_150 : vector<16xi32>
        %shift_left3A_152 = arith.constant 13 : i32
        %shift_left3A_153 = vector.broadcast %shift_left3A_152 : i32 to vector<16xi32>
        %shift_left3A_154 = arith.shli %shift_right_arithmetic3A_151, %shift_left3A_153 : vector<16xi32>
        %and3A_155 = arith.constant 7 : i32
        %and3A_156 = vector.broadcast %and3A_155 : i32 to vector<16xi32>
        %and3A_157 = arith.andi %get3A_148, %and3A_156 : vector<16xi32>
        %shift_left3A_158 = arith.constant 7 : i32
        %shift_left3A_159 = vector.broadcast %shift_left3A_158 : i32 to vector<16xi32>
        %shift_left3A_160 = arith.shli %and3A_157, %shift_left3A_159 : vector<16xi32>
        %add3A_161 = arith.addi %shift_left3A_154, %shift_left3A_160 : vector<16xi32>
        %add3A_162 = arith.addi %add3A_161, %add3A_144 : vector<16xi32>
        %swap3A_163 = arith.index_cast %add3A_112 : i32 to index
        %swap3A_164 = arith.constant 16 : index
        %swap3A_165 = tpu.vector_load %arg6[%swap3A_163, %swap3A_164] {strides = array<i32>} : memref<56x128xi32, #tpu.memory_space<vmem>>, vector<1x16xi32>,
        %swap3A_166 = vector.shape_cast %swap3A_165 : vector<1x16xi32> to vector<16xi32>
        %swap3A_167 = vector.shape_cast %add3A_162 : vector<16xi32> to vector<1x16xi32>
        tpu.vector_store %arg6[%swap3A_163, %swap3A_164], %swap3A_167 {strides = array<i32>} : memref<56x128xi32, #tpu.memory_space<vmem>>, vector<1x16xi32>,
        %mul3A_168 = arith.constant 1024 : i32
        %mul3A_169 = arith.muli %and3A_1, %mul3A_168 : i32
        %add3A_170 = arith.constant 32 : i32
        %add3A_171 = arith.addi %mul3A_169, %add3A_170 : i32
        %add3A_172 = vector.broadcast %add3A_171 : i32 to vector<16xi32>
        %add3A_173 = arith.addi %add3A_172, %iota3A : vector<16xi32>
        %get3A_174 = arith.index_cast %add3A_112 : i32 to index
        %get3A_175 = arith.constant 32 : index
        %get3A_176 = tpu.vector_load %arg5[%get3A_174, %get3A_175] {strides = array<i32>} : memref<56x128xi32, #tpu.memory_space<vmem>>, vector<1x16xi32>,
        %get3A_177 = vector.shape_cast %get3A_176 : vector<1x16xi32> to vector<16xi32>
        %shift_right_arithmetic3A_178 = arith.constant 3 : i32
        %shift_right_arithmetic3A_179 = vector.broadcast %shift_right_arithmetic3A_178 : i32 to vector<16xi32>
        %shift_right_arithmetic3A_180 = arith.shrsi %get3A_177, %shift_right_arithmetic3A_179 : vector<16xi32>
        %shift_left3A_181 = arith.constant 13 : i32
        %shift_left3A_182 = vector.broadcast %shift_left3A_181 : i32 to vector<16xi32>
        %shift_left3A_183 = arith.shli %shift_right_arithmetic3A_180, %shift_left3A_182 : vector<16xi32>
        %and3A_184 = arith.constant 7 : i32
        %and3A_185 = vector.broadcast %and3A_184 : i32 to vector<16xi32>
        %and3A_186 = arith.andi %get3A_177, %and3A_185 : vector<16xi32>
        %shift_left3A_187 = arith.constant 7 : i32
        %shift_left3A_188 = vector.broadcast %shift_left3A_187 : i32 to vector<16xi32>
        %shift_left3A_189 = arith.shli %and3A_186, %shift_left3A_188 : vector<16xi32>
        %add3A_190 = arith.addi %shift_left3A_183, %shift_left3A_189 : vector<16xi32>
        %add3A_191 = arith.addi %add3A_190, %add3A_173 : vector<16xi32>
        %swap3A_192 = arith.index_cast %add3A_112 : i32 to index
        %swap3A_193 = arith.constant 32 : index
        %swap3A_194 = tpu.vector_load %arg6[%swap3A_192, %swap3A_193] {strides = array<i32>} : memref<56x128xi32, #tpu.memory_space<vmem>>, vector<1x16xi32>,
        %swap3A_195 = vector.shape_cast %swap3A_194 : vector<1x16xi32> to vector<16xi32>
        %swap3A_196 = vector.shape_cast %add3A_191 : vector<16xi32> to vector<1x16xi32>
        tpu.vector_store %arg6[%swap3A_192, %swap3A_193], %swap3A_196 {strides = array<i32>} : memref<56x128xi32, #tpu.memory_space<vmem>>, vector<1x16xi32>,
        %mul3A_197 = arith.constant 1024 : i32
        %mul3A_198 = arith.muli %and3A_1, %mul3A_197 : i32
        %add3A_199 = arith.constant 48 : i32
        %add3A_200 = arith.addi %mul3A_198, %add3A_199 : i32
        %add3A_201 = vector.broadcast %add3A_200 : i32 to vector<16xi32>
        %add3A_202 = arith.addi %add3A_201, %iota3A : vector<16xi32>
        %get3A_203 = arith.index_cast %add3A_112 : i32 to index
        %get3A_204 = arith.constant 48 : index
        %get3A_205 = tpu.vector_load %arg5[%get3A_203, %get3A_204] {strides = array<i32>} : memref<56x128xi32, #tpu.memory_space<vmem>>, vector<1x16xi32>,
        %get3A_206 = vector.shape_cast %get3A_205 : vector<1x16xi32> to vector<16xi32>
        %shift_right_arithmetic3A_207 = arith.constant 3 : i32
        %shift_right_arithmetic3A_208 = vector.broadcast %shift_right_arithmetic3A_207 : i32 to vector<16xi32>
        %shift_right_arithmetic3A_209 = arith.shrsi %get3A_206, %shift_right_arithmetic3A_208 : vector<16xi32>
        %shift_left3A_210 = arith.constant 13 : i32
        %shift_left3A_211 = vector.broadcast %shift_left3A_210 : i32 to vector<16xi32>
        %shift_left3A_212 = arith.shli %shift_right_arithmetic3A_209, %shift_left3A_211 : vector<16xi32>
        %and3A_213 = arith.constant 7 : i32
        %and3A_214 = vector.broadcast %and3A_213 : i32 to vector<16xi32>
        %and3A_215 = arith.andi %get3A_206, %and3A_214 : vector<16xi32>
        %shift_left3A_216 = arith.constant 7 : i32
        %shift_left3A_217 = vector.broadcast %shift_left3A_216 : i32 to vector<16xi32>
        %shift_left3A_218 = arith.shli %and3A_215, %shift_left3A_217 : vector<16xi32>
        %add3A_219 = arith.addi %shift_left3A_212, %shift_left3A_218 : vector<16xi32>
        %add3A_220 = arith.addi %add3A_219, %add3A_202 : vector<16xi32>
        %swap3A_221 = arith.index_cast %add3A_112 : i32 to index
        %swap3A_222 = arith.constant 48 : index
        %swap3A_223 = tpu.vector_load %arg6[%swap3A_221, %swap3A_222] {strides = array<i32>} : memref<56x128xi32, #tpu.memory_space<vmem>>, vector<1x16xi32>,
        %swap3A_224 = vector.shape_cast %swap3A_223 : vector<1x16xi32> to vector<16xi32>
        %swap3A_225 = vector.shape_cast %add3A_220 : vector<16xi32> to vector<1x16xi32>
        tpu.vector_store %arg6[%swap3A_221, %swap3A_222], %swap3A_225 {strides = array<i32>} : memref<56x128xi32, #tpu.memory_space<vmem>>, vector<1x16xi32>,
        %mul3A_226 = arith.constant 1024 : i32
        %mul3A_227 = arith.muli %and3A_1, %mul3A_226 : i32
        %add3A_228 = arith.constant 64 : i32
        %add3A_229 = arith.addi %mul3A_227, %add3A_228 : i32
        %add3A_230 = vector.broadcast %add3A_229 : i32 to vector<16xi32>
        %add3A_231 = arith.addi %add3A_230, %iota3A : vector<16xi32>
        %get3A_232 = arith.index_cast %add3A_112 : i32 to index
        %get3A_233 = arith.constant 64 : index
        %get3A_234 = tpu.vector_load %arg5[%get3A_232, %get3A_233] {strides = array<i32>} : memref<56x128xi32, #tpu.memory_space<vmem>>, vector<1x16xi32>,
        %get3A_235 = vector.shape_cast %get3A_234 : vector<1x16xi32> to vector<16xi32>
        %shift_right_arithmetic3A_236 = arith.constant 3 : i32
        %shift_right_arithmetic3A_237 = vector.broadcast %shift_right_arithmetic3A_236 : i32 to vector<16xi32>
        %shift_right_arithmetic3A_238 = arith.shrsi %get3A_235, %shift_right_arithmetic3A_237 : vector<16xi32>
        %shift_left3A_239 = arith.constant 13 : i32
        %shift_left3A_240 = vector.broadcast %shift_left3A_239 : i32 to vector<16xi32>
        %shift_left3A_241 = arith.shli %shift_right_arithmetic3A_238, %shift_left3A_240 : vector<16xi32>
        %and3A_242 = arith.constant 7 : i32
        %and3A_243 = vector.broadcast %and3A_242 : i32 to vector<16xi32>
        %and3A_244 = arith.andi %get3A_235, %and3A_243 : vector<16xi32>
        %shift_left3A_245 = arith.constant 7 : i32
        %shift_left3A_246 = vector.broadcast %shift_left3A_245 : i32 to vector<16xi32>
        %shift_left3A_247 = arith.shli %and3A_244, %shift_left3A_246 : vector<16xi32>
        %add3A_248 = arith.addi %shift_left3A_241, %shift_left3A_247 : vector<16xi32>
        %add3A_249 = arith.addi %add3A_248, %add3A_231 : vector<16xi32>
        %swap3A_250 = arith.index_cast %add3A_112 : i32 to index
        %swap3A_251 = arith.constant 64 : index
        %swap3A_252 = tpu.vector_load %arg6[%swap3A_250, %swap3A_251] {strides = array<i32>} : memref<56x128xi32, #tpu.memory_space<vmem>>, vector<1x16xi32>,
        %swap3A_253 = vector.shape_cast %swap3A_252 : vector<1x16xi32> to vector<16xi32>
        %swap3A_254 = vector.shape_cast %add3A_249 : vector<16xi32> to vector<1x16xi32>
        tpu.vector_store %arg6[%swap3A_250, %swap3A_251], %swap3A_254 {strides = array<i32>} : memref<56x128xi32, #tpu.memory_space<vmem>>, vector<1x16xi32>,
        %mul3A_255 = arith.constant 1024 : i32
        %mul3A_256 = arith.muli %and3A_1, %mul3A_255 : i32
        %add3A_257 = arith.constant 80 : i32
        %add3A_258 = arith.addi %mul3A_256, %add3A_257 : i32
        %add3A_259 = vector.broadcast %add3A_258 : i32 to vector<16xi32>
        %add3A_260 = arith.addi %add3A_259, %iota3A : vector<16xi32>
        %get3A_261 = arith.index_cast %add3A_112 : i32 to index
        %get3A_262 = arith.constant 80 : index
        %get3A_263 = tpu.vector_load %arg5[%get3A_261, %get3A_262] {strides = array<i32>} : memref<56x128xi32, #tpu.memory_space<vmem>>, vector<1x16xi32>,
        %get3A_264 = vector.shape_cast %get3A_263 : vector<1x16xi32> to vector<16xi32>
        %shift_right_arithmetic3A_265 = arith.constant 3 : i32
        %shift_right_arithmetic3A_266 = vector.broadcast %shift_right_arithmetic3A_265 : i32 to vector<16xi32>
        %shift_right_arithmetic3A_267 = arith.shrsi %get3A_264, %shift_right_arithmetic3A_266 : vector<16xi32>
        %shift_left3A_268 = arith.constant 13 : i32
        %shift_left3A_269 = vector.broadcast %shift_left3A_268 : i32 to vector<16xi32>
        %shift_left3A_270 = arith.shli %shift_right_arithmetic3A_267, %shift_left3A_269 : vector<16xi32>
        %and3A_271 = arith.constant 7 : i32
        %and3A_272 = vector.broadcast %and3A_271 : i32 to vector<16xi32>
        %and3A_273 = arith.andi %get3A_264, %and3A_272 : vector<16xi32>
        %shift_left3A_274 = arith.constant 7 : i32
        %shift_left3A_275 = vector.broadcast %shift_left3A_274 : i32 to vector<16xi32>
        %shift_left3A_276 = arith.shli %and3A_273, %shift_left3A_275 : vector<16xi32>
        %add3A_277 = arith.addi %shift_left3A_270, %shift_left3A_276 : vector<16xi32>
        %add3A_278 = arith.addi %add3A_277, %add3A_260 : vector<16xi32>
        %swap3A_279 = arith.index_cast %add3A_112 : i32 to index
        %swap3A_280 = arith.constant 80 : index
        %swap3A_281 = tpu.vector_load %arg6[%swap3A_279, %swap3A_280] {strides = array<i32>} : memref<56x128xi32, #tpu.memory_space<vmem>>, vector<1x16xi32>,
        %swap3A_282 = vector.shape_cast %swap3A_281 : vector<1x16xi32> to vector<16xi32>
        %swap3A_283 = vector.shape_cast %add3A_278 : vector<16xi32> to vector<1x16xi32>
        tpu.vector_store %arg6[%swap3A_279, %swap3A_280], %swap3A_283 {strides = array<i32>} : memref<56x128xi32, #tpu.memory_space<vmem>>, vector<1x16xi32>,
        %mul3A_284 = arith.constant 1024 : i32
        %mul3A_285 = arith.muli %and3A_1, %mul3A_284 : i32
        %add3A_286 = arith.constant 96 : i32
        %add3A_287 = arith.addi %mul3A_285, %add3A_286 : i32
        %add3A_288 = vector.broadcast %add3A_287 : i32 to vector<16xi32>
        %add3A_289 = arith.addi %add3A_288, %iota3A : vector<16xi32>
        %get3A_290 = arith.index_cast %add3A_112 : i32 to index
        %get3A_291 = arith.constant 96 : index
        %get3A_292 = tpu.vector_load %arg5[%get3A_290, %get3A_291] {strides = array<i32>} : memref<56x128xi32, #tpu.memory_space<vmem>>, vector<1x16xi32>,
        %get3A_293 = vector.shape_cast %get3A_292 : vector<1x16xi32> to vector<16xi32>
        %shift_right_arithmetic3A_294 = arith.constant 3 : i32
        %shift_right_arithmetic3A_295 = vector.broadcast %shift_right_arithmetic3A_294 : i32 to vector<16xi32>
        %shift_right_arithmetic3A_296 = arith.shrsi %get3A_293, %shift_right_arithmetic3A_295 : vector<16xi32>
        %shift_left3A_297 = arith.constant 13 : i32
        %shift_left3A_298 = vector.broadcast %shift_left3A_297 : i32 to vector<16xi32>
        %shift_left3A_299 = arith.shli %shift_right_arithmetic3A_296, %shift_left3A_298 : vector<16xi32>
        %and3A_300 = arith.constant 7 : i32
        %and3A_301 = vector.broadcast %and3A_300 : i32 to vector<16xi32>
        %and3A_302 = arith.andi %get3A_293, %and3A_301 : vector<16xi32>
        %shift_left3A_303 = arith.constant 7 : i32
        %shift_left3A_304 = vector.broadcast %shift_left3A_303 : i32 to vector<16xi32>
        %shift_left3A_305 = arith.shli %and3A_302, %shift_left3A_304 : vector<16xi32>
        %add3A_306 = arith.addi %shift_left3A_299, %shift_left3A_305 : vector<16xi32>
        %add3A_307 = arith.addi %add3A_306, %add3A_289 : vector<16xi32>
        %swap3A_308 = arith.index_cast %add3A_112 : i32 to index
        %swap3A_309 = arith.constant 96 : index
        %swap3A_310 = tpu.vector_load %arg6[%swap3A_308, %swap3A_309] {strides = array<i32>} : memref<56x128xi32, #tpu.memory_space<vmem>>, vector<1x16xi32>,
        %swap3A_311 = vector.shape_cast %swap3A_310 : vector<1x16xi32> to vector<16xi32>
        %swap3A_312 = vector.shape_cast %add3A_307 : vector<16xi32> to vector<1x16xi32>
        tpu.vector_store %arg6[%swap3A_308, %swap3A_309], %swap3A_312 {strides = array<i32>} : memref<56x128xi32, #tpu.memory_space<vmem>>, vector<1x16xi32>,
        %mul3A_313 = arith.constant 1024 : i32
        %mul3A_314 = arith.muli %and3A_1, %mul3A_313 : i32
        %add3A_315 = arith.constant 112 : i32
        %add3A_316 = arith.addi %mul3A_314, %add3A_315 : i32
        %add3A_317 = vector.broadcast %add3A_316 : i32 to vector<16xi32>
        %add3A_318 = arith.addi %add3A_317, %iota3A : vector<16xi32>
        %get3A_319 = arith.index_cast %add3A_112 : i32 to index
        %get3A_320 = arith.constant 112 : index
        %get3A_321 = tpu.vector_load %arg5[%get3A_319, %get3A_320] {strides = array<i32>} : memref<56x128xi32, #tpu.memory_space<vmem>>, vector<1x16xi32>,
        %get3A_322 = vector.shape_cast %get3A_321 : vector<1x16xi32> to vector<16xi32>
        %shift_right_arithmetic3A_323 = arith.constant 3 : i32
        %shift_right_arithmetic3A_324 = vector.broadcast %shift_right_arithmetic3A_323 : i32 to vector<16xi32>
        %shift_right_arithmetic3A_325 = arith.shrsi %get3A_322, %shift_right_arithmetic3A_324 : vector<16xi32>
        %shift_left3A_326 = arith.constant 13 : i32
        %shift_left3A_327 = vector.broadcast %shift_left3A_326 : i32 to vector<16xi32>
        %shift_left3A_328 = arith.shli %shift_right_arithmetic3A_325, %shift_left3A_327 : vector<16xi32>
        %and3A_329 = arith.constant 7 : i32
        %and3A_330 = vector.broadcast %and3A_329 : i32 to vector<16xi32>
        %and3A_331 = arith.andi %get3A_322, %and3A_330 : vector<16xi32>
        %shift_left3A_332 = arith.constant 7 : i32
        %shift_left3A_333 = vector.broadcast %shift_left3A_332 : i32 to vector<16xi32>
        %shift_left3A_334 = arith.shli %and3A_331, %shift_left3A_333 : vector<16xi32>
        %add3A_335 = arith.addi %shift_left3A_328, %shift_left3A_334 : vector<16xi32>
        %add3A_336 = arith.addi %add3A_335, %add3A_318 : vector<16xi32>
        %swap3A_337 = arith.index_cast %add3A_112 : i32 to index
        %swap3A_338 = arith.constant 112 : index
        %swap3A_339 = tpu.vector_load %arg6[%swap3A_337, %swap3A_338] {strides = array<i32>} : memref<56x128xi32, #tpu.memory_space<vmem>>, vector<1x16xi32>,
        %swap3A_340 = vector.shape_cast %swap3A_339 : vector<1x16xi32> to vector<16xi32>
        %swap3A_341 = vector.shape_cast %add3A_336 : vector<16xi32> to vector<1x16xi32>
        tpu.vector_store %arg6[%swap3A_337, %swap3A_338], %swap3A_341 {strides = array<i32>} : memref<56x128xi32, #tpu.memory_space<vmem>>, vector<1x16xi32>,
        %dma_start3A = arith.constant 0 : i32
        %dma_start3A_342 = tpu.memref_slice %arg7[%add3A_112, %dma_start3A] : memref<56x128xf32, #tpu.memory_space<vmem>> -> memref<1x128xf32, #tpu.memory_space<vmem>>
        %dma_start3A_343 = tpu.memref_squeeze %dma_start3A_342 : memref<1x128xf32, #tpu.memory_space<vmem>> -> memref<128xf32, #tpu.memory_space<vmem>>
        %dma_start3A_344 = arith.constant 0 : i32
        %dma_start3A_345 = tpu.memref_slice %arg6[%add3A_112, %dma_start3A_344] : memref<56x128xi32, #tpu.memory_space<vmem>> -> memref<1x128xi32, #tpu.memory_space<vmem>>
        %dma_start3A_346 = tpu.memref_squeeze %dma_start3A_345 : memref<1x128xi32, #tpu.memory_space<vmem>> -> memref<128xi32, #tpu.memory_space<vmem>>
        %dma_start3A_347 = arith.constant 0 : i32
        %dma_start3A_348 = tpu.memref_slice %arg2[%while3A_39, %dma_start3A_347] : memref<100000x1024xf32, #tpu.memory_space<hbm>> -> memref<1x128xf32, #tpu.memory_space<hbm>>
        %dma_start3A_349 = tpu.memref_squeeze %dma_start3A_348 : memref<1x128xf32, #tpu.memory_space<hbm>> -> memref<128xf32, #tpu.memory_space<hbm>>
        %dma_start3A_350 = arith.constant 0 : i32
        %dma_start3A_351 = tpu.memref_slice %dma_start3A_349[%dma_start3A_350] : memref<128xf32, #tpu.memory_space<hbm>> -> memref<128xf32, #tpu.memory_space<hbm>>
        tpu.enqueue_indirect_dma source(%dma_start3A_351 : memref<128xf32, #tpu.memory_space<hbm>>) target(%dma_start3A_343 : memref<128xf32, #tpu.memory_space<vmem>>) offsets(%dma_start3A_346 : memref<128xi32, #tpu.memory_space<vmem>>) semaphore(%arg8 : memref<!tpu.dma_semaphore, #tpu.memory_space<semaphore_mem>>)
      }
    }
    %dma_wait3A = arith.constant 0 : i32
    %dma_wait3A_49 = arith.constant 0 : i32
    %dma_wait3A_50 = tpu.memref_slice %arg7[%dma_wait3A, %dma_wait3A_49] : memref<56x128xf32, #tpu.memory_space<vmem>> -> memref<48x128xf32, #tpu.memory_space<vmem>>
    %dma_wait3A_51 = arith.constant 0 : i32
    %dma_wait3A_52 = arith.constant 0 : i32
    %dma_wait3A_53 = tpu.memref_slice %arg2[%dma_wait3A_51, %dma_wait3A_52] : memref<100000x1024xf32, #tpu.memory_space<hbm>> -> memref<48x128xf32, #tpu.memory_space<hbm>>
    %dma_wait3A_54 = arith.constant 0 : i32
    %dma_wait3A_55 = arith.constant 0 : i32
    %dma_wait3A_56 = tpu.memref_slice %arg7[%dma_wait3A_54, %dma_wait3A_55] : memref<56x128xf32, #tpu.memory_space<vmem>> -> memref<48x128xf32, #tpu.memory_space<vmem>>
    %dma_wait3A_57 = arith.constant 0 : i32
    %dma_wait3A_58 = arith.constant 0 : i32
    %dma_wait3A_59 = tpu.memref_slice %arg2[%dma_wait3A_57, %dma_wait3A_58] : memref<100000x1024xf32, #tpu.memory_space<hbm>> -> memref<48x128xf32, #tpu.memory_space<hbm>>
    tpu.wait_dma2 semaphore(%arg8 : memref<!tpu.dma_semaphore, #tpu.memory_space<semaphore_mem>>) src(%dma_wait3A_59 : memref<48x128xf32, #tpu.memory_space<hbm>>) dst(%dma_wait3A_56 : memref<48x128xf32, #tpu.memory_space<vmem>>)
    %eq3A_60 = arith.constant 0 : i32
    %eq3A_61 = arith.cmpi eq, %shift_right_arithmetic3A_2, %eq3A_60 : i32
    %convert_element_type3A_62 = arith.extui %eq3A_61 : i1 to i32
    %cond3A = arith.constant 0 : i32
    %cond3A_63 = arith.cmpi ne, %convert_element_type3A_62, %cond3A : i32
    scf.if %cond3A_63 {
      %dma_wait3A_71 = arith.constant 48 : i32
      %dma_wait3A_72 = arith.constant 0 : i32
      %dma_wait3A_73 = tpu.memref_slice %arg7[%dma_wait3A_71, %dma_wait3A_72] : memref<56x128xf32, #tpu.memory_space<vmem>> -> memref<8x128xf32, #tpu.memory_space<vmem>>
      %dma_wait3A_74 = arith.constant 48 : i32
      %dma_wait3A_75 = arith.constant 0 : i32
      %dma_wait3A_76 = tpu.memref_slice %arg2[%dma_wait3A_74, %dma_wait3A_75] : memref<100000x1024xf32, #tpu.memory_space<hbm>> -> memref<8x128xf32, #tpu.memory_space<hbm>>
      %dma_wait3A_77 = arith.constant 48 : i32
      %dma_wait3A_78 = arith.constant 0 : i32
      %dma_wait3A_79 = tpu.memref_slice %arg7[%dma_wait3A_77, %dma_wait3A_78] : memref<56x128xf32, #tpu.memory_space<vmem>> -> memref<8x128xf32, #tpu.memory_space<vmem>>
      %dma_wait3A_80 = arith.constant 48 : i32
      %dma_wait3A_81 = arith.constant 0 : i32
      %dma_wait3A_82 = tpu.memref_slice %arg2[%dma_wait3A_80, %dma_wait3A_81] : memref<100000x1024xf32, #tpu.memory_space<hbm>> -> memref<8x128xf32, #tpu.memory_space<hbm>>
      tpu.wait_dma2 semaphore(%arg8 : memref<!tpu.dma_semaphore, #tpu.memory_space<semaphore_mem>>) src(%dma_wait3A_82 : memref<8x128xf32, #tpu.memory_space<hbm>>) dst(%dma_wait3A_79 : memref<8x128xf32, #tpu.memory_space<vmem>>)
    } else {
    }
    %mul3A_64 = arith.constant 128 : i32
    %mul3A_65 = arith.muli %and3A_1, %mul3A_64 : i32
    "tpu.region"() ({
      %run_scoped3A = tpu.sem_alloc : memref<!tpu.dma_semaphore, #tpu.memory_space<semaphore_mem>>
      %dma_start3A = arith.constant 0 : i32
      %dma_start3A_71 = arith.constant 0 : i32
      %dma_start3A_72 = tpu.memref_slice %arg7[%dma_start3A, %dma_start3A_71] : memref<56x128xf32, #tpu.memory_space<vmem>> -> memref<48x128xf32, #tpu.memory_space<vmem>>
      %dma_start3A_73 = tpu.memref_slice %arg4[%add3A_8, %mul3A_65] : memref<200x1024xf32, #tpu.memory_space<hbm>> -> memref<48x128xf32, #tpu.memory_space<hbm>>
      %dma_start3A_74 = tpu.memref_slice %arg4[%add3A_8, %mul3A_65] : memref<200x1024xf32, #tpu.memory_space<hbm>> -> memref<48x128xf32, #tpu.memory_space<hbm>>
      %dma_start3A_75 = arith.constant 0 : i32
      %dma_start3A_76 = arith.constant 0 : i32
      %dma_start3A_77 = tpu.memref_slice %arg7[%dma_start3A_75, %dma_start3A_76] : memref<56x128xf32, #tpu.memory_space<vmem>> -> memref<48x128xf32, #tpu.memory_space<vmem>>
      tpu.enqueue_dma source(%dma_start3A_77 : memref<48x128xf32, #tpu.memory_space<vmem>>) target(%dma_start3A_74 : memref<48x128xf32, #tpu.memory_space<hbm>>) target_semaphore(%run_scoped3A : memref<!tpu.dma_semaphore, #tpu.memory_space<semaphore_mem>>)
      %dma_wait3A_78 = arith.constant 0 : i32
      %dma_wait3A_79 = arith.constant 0 : i32
      %dma_wait3A_80 = tpu.memref_slice %arg7[%dma_wait3A_78, %dma_wait3A_79] : memref<56x128xf32, #tpu.memory_space<vmem>> -> memref<48x128xf32, #tpu.memory_space<vmem>>
      %dma_wait3A_81 = tpu.memref_slice %arg4[%add3A_8, %mul3A_65] : memref<200x1024xf32, #tpu.memory_space<hbm>> -> memref<48x128xf32, #tpu.memory_space<hbm>>
      %dma_wait3A_82 = tpu.memref_slice %arg4[%add3A_8, %mul3A_65] : memref<200x1024xf32, #tpu.memory_space<hbm>> -> memref<48x128xf32, #tpu.memory_space<hbm>>
      %dma_wait3A_83 = arith.constant 0 : i32
      %dma_wait3A_84 = arith.constant 0 : i32
      %dma_wait3A_85 = tpu.memref_slice %arg7[%dma_wait3A_83, %dma_wait3A_84] : memref<56x128xf32, #tpu.memory_space<vmem>> -> memref<48x128xf32, #tpu.memory_space<vmem>>
      tpu.wait_dma2 semaphore(%run_scoped3A : memref<!tpu.dma_semaphore, #tpu.memory_space<semaphore_mem>>) src(%dma_wait3A_85 : memref<48x128xf32, #tpu.memory_space<vmem>>) dst(%dma_wait3A_82 : memref<48x128xf32, #tpu.memory_space<hbm>>)
      tpu.yield
    }) : () -> ()
    %eq3A_66 = arith.constant 0 : i32
    %eq3A_67 = arith.cmpi eq, %shift_right_arithmetic3A_2, %eq3A_66 : i32
    %convert_element_type3A_68 = arith.extui %eq3A_67 : i1 to i32
    %cond3A_69 = arith.constant 0 : i32
    %cond3A_70 = arith.cmpi ne, %convert_element_type3A_68, %cond3A_69 : i32
    scf.if %cond3A_70 {
      %mul3A_71 = arith.constant 128 : i32
      %mul3A_72 = arith.muli %and3A_1, %mul3A_71 : i32
      "tpu.region"() ({
        %run_scoped3A = tpu.sem_alloc : memref<!tpu.dma_semaphore, #tpu.memory_space<semaphore_mem>>
        %dma_start3A = arith.constant 48 : i32
        %dma_start3A_73 = arith.constant 0 : i32
        %dma_start3A_74 = tpu.memref_slice %arg7[%dma_start3A, %dma_start3A_73] : memref<56x128xf32, #tpu.memory_space<vmem>> -> memref<8x128xf32, #tpu.memory_space<vmem>>
        %dma_start3A_75 = arith.constant 48 : i32
        %dma_start3A_76 = tpu.memref_slice %arg4[%dma_start3A_75, %mul3A_72] : memref<200x1024xf32, #tpu.memory_space<hbm>> -> memref<8x128xf32, #tpu.memory_space<hbm>>
        %dma_start3A_77 = arith.constant 48 : i32
        %dma_start3A_78 = tpu.memref_slice %arg4[%dma_start3A_77, %mul3A_72] : memref<200x1024xf32, #tpu.memory_space<hbm>> -> memref<8x128xf32, #tpu.memory_space<hbm>>
        %dma_start3A_79 = arith.constant 48 : i32
        %dma_start3A_80 = arith.constant 0 : i32
        %dma_start3A_81 = tpu.memref_slice %arg7[%dma_start3A_79, %dma_start3A_80] : memref<56x128xf32, #tpu.memory_space<vmem>> -> memref<8x128xf32, #tpu.memory_space<vmem>>
        tpu.enqueue_dma source(%dma_start3A_81 : memref<8x128xf32, #tpu.memory_space<vmem>>) target(%dma_start3A_78 : memref<8x128xf32, #tpu.memory_space<hbm>>) target_semaphore(%run_scoped3A : memref<!tpu.dma_semaphore, #tpu.memory_space<semaphore_mem>>)
        %dma_wait3A_82 = arith.constant 48 : i32
        %dma_wait3A_83 = arith.constant 0 : i32
        %dma_wait3A_84 = tpu.memref_slice %arg7[%dma_wait3A_82, %dma_wait3A_83] : memref<56x128xf32, #tpu.memory_space<vmem>> -> memref<8x128xf32, #tpu.memory_space<vmem>>
        %dma_wait3A_85 = arith.constant 48 : i32
        %dma_wait3A_86 = tpu.memref_slice %arg4[%dma_wait3A_85, %mul3A_72] : memref<200x1024xf32, #tpu.memory_space<hbm>> -> memref<8x128xf32, #tpu.memory_space<hbm>>
        %dma_wait3A_87 = arith.constant 48 : i32
        %dma_wait3A_88 = tpu.memref_slice %arg4[%dma_wait3A_87, %mul3A_72] : memref<200x1024xf32, #tpu.memory_space<hbm>> -> memref<8x128xf32, #tpu.memory_space<hbm>>
        %dma_wait3A_89 = arith.constant 48 : i32
        %dma_wait3A_90 = arith.constant 0 : i32
        %dma_wait3A_91 = tpu.memref_slice %arg7[%dma_wait3A_89, %dma_wait3A_90] : memref<56x128xf32, #tpu.memory_space<vmem>> -> memref<8x128xf32, #tpu.memory_space<vmem>>
        tpu.wait_dma2 semaphore(%run_scoped3A : memref<!tpu.dma_semaphore, #tpu.memory_space<semaphore_mem>>) src(%dma_wait3A_91 : memref<8x128xf32, #tpu.memory_space<vmem>>) dst(%dma_wait3A_88 : memref<8x128xf32, #tpu.memory_space<hbm>>)
        tpu.yield
      }) : () -> ()
    } else {
    }
    return
  }
}

</mosaic_0001>

<sc_bundles>
// kernel: kernel.3.cloned.1.call-start
scs
__scs_entry_jumppad:
0x0: {  	(pc) =	sbr.rel $0x88, $3  }
0x1: {  	(tag) =	ssettag $0x0;
	lr =	simm.s32 $0x1  }
0x2: {  	[smem:$0x3F9F] =	sst lr;
	_ =	strace $0xD0000000  }
0x3: {  	_ = 	snop  }
0x4: {  	_ = 	snop  }
0x5: {  	_ = 	snop  }
0x6: {  	_ = 	snop  }
0x7: {  	_ = 	snop  }
__scs_overlays_trampoline_lowered:
0x8: {  	[smem:$0x3FAE] =	sst s0  }
0x9: {  	[smem:$0x3FAF] =	sst s1  }
0xa: {  	[smem:$0x3FB0] =	sst s2  }
0xb: {  	[smem:$0x3FB1] =	sst s3  }
0xc: {  	[smem:$0x3FB2] =	sst s4  }
0xd: {  	[smem:$0x3FB3] =	sst s5  }
0xe: {  	[smem:$0x3FB4] =	sst s6  }
0xf: {  	[smem:$0x3FB5] =	sst s7  }
0x10: {  	[smem:$0x3FB6] =	sst s8  }
0x11: {  	[smem:$0x3FB7] =	sst s9;
	s0 =	simm.s32 @!p0 $0x0  }
0x12: {  	s1 =	sld [smem:$0x3F9D];
	s0 =	simm.s32 @p0 $0x1  }
0x13: {  	[smem:$0x3FB8] =	sst s0;
	s0 =	simm.s32 @!p1 $0x0  }
0x14: {  	s2 =	sld [smem:$0x3F9C];
	s0 =	simm.s32 @p1 $0x1  }
0x15: {  	[smem:$0x3FB9] =	sst s0;
	s0 =	simm.s32 @!p2 $0x0  }
0x16: {  	s3 =	sld [smem:$0x3FDB];
	s0 =	simm.s32 @p2 $0x1  }
0x17: {  	s4 =	simm.s32 $0x1BF5;
	[smem:$0x3FBB] =	sst s0  }
0x18: {  	s0 =	sld [smem:$0x3F9E];
	_ =	swait.ge [sflag:s4], $0x0  }
0x19: {  	s7 =	sld [smem:$0x3F9F]  }
0x1a: {  	s8 =	sadd.s32 $0xFFFFE003, lr  }
0x1b: {  	s9 =	sadd.s32 $0xFFFFFEF7, lr;
	s5 =	simm.s32 $0xFFFFFFFF;
	p2 =	slt.u32 s8, $0xFFFFF086  }
0x1c: {  	p1 =	slt.u32 s9, $0xF7A;
	s5 =	simm.s32 @!p2 $0x0  }
0x1d: {  	s5 =	simm.s32 @p1 $0x1;
	p0 =	seq.s32 s7, s2  }
0x1e: {  	s7 =	smul.u32 @!p0 $0xF7A, s2;
	p2 =	seq.s32 @!p0 s5, $0x0  }
0x1f: {  	s9 =	smul.u32 $0xF7A, s1;
	s8 =	simm.s32 @!p0 $0x1BF5;
	p2 =	por !p2, p0  }
0x20: {  	[sflag:s8] =	ssyncset.s32 @!p0 $0xFFFFF086;
	s6 =	sadd.s32 @!p0 s3, s7;
	s7 =	simm.s32 @!p0 $0x108  }
0x21: {  	s3 =	sadd.s32 s3, s9;
	s6 =	sadd.s32 @!p0 $0x88, s6;
	s7 =	simm.s32 @p2 $0x1082  }
0x22: {  	[simem:s7], [sflag:s8] =	dma.local @!p0 [hbm:s6], $0xF7A  }
0x23: {  	s9 =	sor.u32 $0xD0000000, s2;
	s6 =	simm.s32 $0x108;
	_ =	swait.ge @!p0 [sflag:s8], $0x0  }
0x24: {  	s3 =	sadd.s32 $0x88, s3;
	s6 =	simm.s32 @!p1 $0x1082;
	[sflag:s4] =	ssyncset.s32 $0xFFFFF086  }
0x25: {  	[simem:s6], [sflag:s4] =	dma.local [hbm:s3], $0xF7A  }
0x26: {  	[smem:$0x3F9F] =	sst s1;
	(tag) =	ssettag s2;
	_ =	strace s9  }
0x27: {  	s1 =	sld [smem:$0x3FAF]  }
0x28: {  	s2 =	sld [smem:$0x3FB0]  }
0x29: {  	s4 =	sld [smem:$0x3FB2]  }
0x2a: {  	p0 =	seq.s32 s5, $0x0;
	s5 =	sld [smem:$0x3FB3]  }
0x2b: {  	s6 =	sld [smem:$0x3FB4]  }
0x2c: {  	s7 =	sld [smem:$0x3FB5]  }
0x2d: {  	s3 =	simm.s32 $0x108;
	s8 =	sld [smem:$0x3FB6]  }
0x2e: {  	s3 =	simm.s32 @!p0 $0x1082;
	s9 =	sld [smem:$0x3FB7]  }
0x2f: {  	lr =	sadd.s32 s0, s3;
	s0 =	sld [smem:$0x3FAE]  }
0x30: {  	s3 =	sld [smem:$0x3FB1]  }
0x31: {  	[smem:$0x3FBA] =	sst s10  }
0x32: {  	s10 =	sld [smem:$0x3FB8];
	_ =	sdelay $0x3  }
0x33: {  	p0 =	seq.s32 s10, $0x1;
	s10 =	sld [smem:$0x3FBA];
	_ =	sdelay $0x3  }
0x34: {  	[smem:$0x3FBA] =	sst s10  }
0x35: {  	s10 =	sld [smem:$0x3FB9];
	_ =	sdelay $0x3  }
0x36: {  	p1 =	seq.s32 s10, $0x1;
	s10 =	sld [smem:$0x3FBA];
	_ =	sdelay $0x3  }
0x37: {  	[smem:$0x3FBA] =	sst s10  }
0x38: {  	s10 =	sld [smem:$0x3FBB]  }
0x39: {  	_ = 	snop;
	(pc) =	sbr.ind lr, $3  }
0x3a: {  	_ = 	snop  }
0x3b: {  	_ = 	snop  }
0x3c: {  	p2 =	seq.s32 s10, $0x1;
	s10 =	sld [smem:$0x3FBA]  }
0x3d: {  	_ =	shalt  }
0x3e: {  	_ =	shalt  }
0x3f: {  	_ =	shalt  }
0x40: {  	_ =	shalt  }
0x41: {  	_ =	shalt  }
0x42: {  	_ =	shalt  }
0x43: {  	_ =	shalt  }
0x44: {  	_ =	shalt  }
0x45: {  	_ =	shalt  }
0x46: {  	_ =	shalt  }
0x47: {  	_ =	shalt  }
0x48: {  	_ =	shalt  }
0x49: {  	_ =	shalt  }
0x4a: {  	_ =	shalt  }
0x4b: {  	_ =	shalt  }
0x4c: {  	_ =	shalt  }
0x4d: {  	_ =	shalt  }
0x4e: {  	_ =	shalt  }
0x4f: {  	_ =	shalt  }
0x50: {  	_ =	shalt  }
0x51: {  	_ =	shalt  }
0x52: {  	_ =	shalt  }
0x53: {  	_ =	shalt  }
0x54: {  	_ =	shalt  }
0x55: {  	_ =	shalt  }
0x56: {  	_ =	shalt  }
0x57: {  	_ =	shalt  }
0x58: {  	_ =	shalt  }
0x59: {  	_ =	shalt  }
0x5a: {  	_ =	shalt  }
0x5b: {  	_ =	shalt  }
0x5c: {  	_ =	shalt  }
0x5d: {  	_ =	shalt  }
0x5e: {  	_ =	shalt  }
0x5f: {  	_ =	shalt  }
0x60: {  	_ =	shalt  }
0x61: {  	_ =	shalt  }
0x62: {  	_ =	shalt  }
0x63: {  	_ =	shalt  }
0x64: {  	_ =	shalt  }
0x65: {  	_ =	shalt  }
0x66: {  	_ =	shalt  }
0x67: {  	_ =	shalt  }
0x68: {  	_ =	shalt  }
0x69: {  	_ =	shalt  }
0x6a: {  	_ =	shalt  }
0x6b: {  	_ =	shalt  }
0x6c: {  	_ =	shalt  }
0x6d: {  	_ =	shalt  }
0x6e: {  	_ =	shalt  }
0x6f: {  	_ =	shalt  }
0x70: {  	_ =	shalt  }
0x71: {  	_ =	shalt  }
0x72: {  	_ =	shalt  }
0x73: {  	_ =	shalt  }
0x74: {  	_ =	shalt  }
0x75: {  	_ =	shalt  }
0x76: {  	_ =	shalt  }
0x77: {  	_ =	shalt  }
0x78: {  	_ =	shalt  }
0x79: {  	_ =	shalt  }
0x7a: {  	_ =	shalt  }
0x7b: {  	_ =	shalt  }
0x7c: {  	_ =	shalt  }
0x7d: {  	_ =	shalt  }
0x7e: {  	_ =	shalt  }
0x7f: {  	_ =	shalt  }
0x80: {  	_ =	shalt  }
0x81: {  	_ =	shalt  }
0x82: {  	_ =	shalt  }
0x83: {  	_ =	shalt  }
0x84: {  	_ =	shalt  }
0x85: {  	_ =	shalt  }
0x86: {  	_ =	shalt  }
0x87: {  	_ =	shalt  }
.Lfunc_end0:
.L_simem_size_0:
called_computation_lowered:
.L_overlay_start_0:
0x88: {  	s2 =	sld [smem:$0x3FD9]  }
0x89: {  	s3 =	sld [smem:$0x3FFE];
	_ =	sdelay $0x1  }
0x8a: {  	s1 =	srdreg.scid  }
0x8b: {  	s0 =	sand.u32 $0x1, s1  }
0x8c: {  	s18 =	sshll.u32 s0, $0xA;
	s2 =	sadd.s32 s3, s2  }
0x8d: {  	s2 =	sadd.s32 s2, s18  }
0x8e: {  	[smem:$0x3FC6] =	sst s2  }
0x8f: {  	_ = 	snop  }
0x90: {  	s2 =	sld [smem:$0x3FC9]  }
0x91: {  	s19 =	sld [smem:$0x3FC8]  }
0x92: {  	s4 =	sld [smem:$0x3FD0];
	(tm) =	ssettm $0x1  }
0x93: {  	s5 =	sld [smem:$0x3FFB];
	_ =	sdelay $0x3  }
0x94: {  	_ =	strace s5  }
0x95: {  	s5 =	sld [smem:$0x3FFC];
	_ =	sdelay $0x3  }
0x96: {  	_ =	strace s5  }
0x97: {  	s5 =	sld [smem:$0x3FFD];
	_ =	sdelay $0x3  }
0x98: {  	_ =	strace s5  }
0x99: {  	_ =	strace $0x8FFFFFFF  }
0x9a: {  	s20 =	sld [smem:$0x3FDB];
	_ =	sdelay $0x1  }
0x9b: {  	s6 =	simm.s32 $_scs_section_size  }
0x9c: {  	s7 =	simm.s32 $_size__tile_overlayer_lowered;
	s8 =	simm.s32 $_tile_overlayer_lowered  }
0x9d: {  	s23 =	simm.s32 $0x1BFF;
	s22 =	sshll.u32 s8, $0x1;
	s5 =	sadd.s32 s6, s20  }
0x9e: {  	s9 =	simm.s32 $0x0;
	s21 =	sshll.u32 s7, $0x1;
	s7 =	sadd.s32 s22, s5  }
0x9f: {  	[timem:s9], [sflag:s23] =	dma.local [hbm:s7], s21  }
0xa0: {  	_ =	swait.ge [sflag:s23], s21  }
0xa1: {  	s6 =	ssub.s32 $0x0, s21;
	[sflag:s23] =	ssyncset.done $0x0  }
0xa2: {  	[sflag:s23] =	ssyncadd.s32 s6;
	_ =	sdelay $0x1  }
0xa3: {  	s24 =	simm.s32 $0x1B8B  }
0xa4: {  	_ =	swait.ge [sflag:s24], $0x1  }
0xa5: {  	[sflag:s24] =	ssyncset.done $0x0  }
0xa6: {  	s25 =	simm.s32 $0x1B8E;
	[sflag:s24] =	ssyncadd.s32 $0xFFFFFFFF  }
0xa7: {  	s26 =	simm.s32 $execute0_lowered;
	[smem:$0x3FD2] =	sst s25  }
0xa8: {  	s6 =	sshll.u32 s26, $0x1;
	_ =	strace $0x80000046;
	[dreg:$0x1] =	wrdreg $0xFFFFFFFF  }
0xa9: {  	s28 =	simm.s32 $_size_execute0_lowered;
	s5 =	sadd.s32 s5, s6;
	[dreg:$0x0] =	wrdreg $0x0  }
0xaa: {  	s6 =	sshll.u32 s28, $0x1;
	[dreg:$0x2] =	wrdreg s5  }
0xab: {  	[dreg:$0x3] =	wrdreg s6  }
0xac: {  	[dreg:$0x4] =	wrdreg $0xC0  }
0xad: {  	_ =	task [dreg:s9], $0x5FFFF  }
0xae: {  	[dreg:$0x1] =	wrdreg $0xFFFFFFFF  }
0xaf: {  	[dreg:$0x0] =	wrdreg $0x60  }
0xb0: {  	[dreg:$0x2] =	wrdreg s2  }
0xb1: {  	[dreg:$0x3] =	wrdreg s19  }
0xb2: {  	[dreg:$0x4] =	wrdreg s4  }
0xb3: {  	[dreg:$0x5] =	wrdreg $0x9  }
0xb4: {  	_ =	task.clear_ibuf [dreg:s9], $0x6FFFF;
	_ =	strace $0x90000046  }
0xb5: {  	s29 =	simm.s32 $0x9;
	_ =	strace $0x80000048  }
0xb6: {  	_ =	swait.ge [sflag:s29], $0x1  }
0xb7: {  	[sflag:s29] =	ssyncadd.s32 $0xFFFFFFFF  }
0xb8: {  	_ =	strace $0x90000048  }
0xb9: {  	_ =	sfence  }
0xba: {  	s30 =	sld [smem:$0x0];
	_ =	sdelay $0x2  }
0xbb: {  	s31 =	sshll.u32 s1, $0xD;
	s1 =	sshrl.u32 s1, $0x2  }
0xbc: {  	s3 =	sand.u32 $0x4000, s31;
	s1 =	sadd.s32 s1, s30  }
0xbd: {  	s0 =	sor.u32 s3, s0;
	s1 =	sshll.u32 s1, $0x11  }
0xbe: {  	s0 =	sor.u32 s1, s0  }
0xbf: {  	s0 =	sadd.s32 $0x8F2B, s0  }
0xc0: {  	[sflag:s0] =	ssyncadd.remote.s32 $0x1  }
0xc1: {  	_ =	sfence.sel $0xFFFF  }
0xc2: {  	[dreg:$0x0] =	wrdreg $0xFFFFFFFF;
	(pc) =	sbr.abs _section_cstart, $3  }
0xc3: {  	[dreg:$0x1] =	wrdreg $0xFFFFFFFF  }
0xc4: {  	_ =	task.clear_ibuf [dreg:s9], $0x2FFFF;
	_ =	strace $0x9FFFFFFF  }
0xc5: {  	(tm) =	ssettm $0x7FFFFFFF  }
tec
execute0_lowered:
.L_overlay_start_1:
0x0: {  	(tag) =	ssettag $0x1  }
0x1: {  	s1 =	rddreg [dreg:$0x0]  }
0x2: {  	s8 =	rddreg [dreg:$0x1]  }
0x3: {  	s5 =	rddreg [dreg:$0x2]  }
0x4: {  	s0 =	rddreg [dreg:$0x3];
	s4 =	srdreg.scid  }
0x5: {  	s3 =	simm.s32 $0x0;
	s2 =	stileid.u32;
	s10 =	simm.s32 $0x0  }
0x6: {  	s4 =	sand.u32 $0x1, s4;
	[smem:$0x7FF] =	sst s3;
	s7 =	sshll.u32 s2, $0x1  }
0x7: {  	s11 =	sshrl.u32 s2, $0x2;
	s6 =	ssub.s32 $0x2, s4;
	_ =	strace $0x80000047  }
0x8: {  	s7 =	sor.u32 s4, s7;
	p0 =	seq.s32 s11, $0x0;
	s12 =	smul.u32 $0x30, s11  }
0x9: {  	s4 =	simm.s32 $0x7;
	s9 =	sshrl.u32 s6, $0x1;
	s26 =	sand.u32 $0x7, s7  }
0xa: {  	s10 =	simm.s32 @!p0 $0x8;
	s4 =	simm.s32 @!p0 $0x6;
	s7 =	sshll.u32 s7, $0x7  }
0xb: {  	p0 =	sne.s32 s11, $0x0;
	s11 =	simm.s32 $0x1;
	s9 =	ssub.s32 s6, s9  }
0xc: {  	s13 =	sshll.u32 s26, $0xA;
	s10 =	sor.u32 s12, s10;
	s30 =	sadd.s32 s7, s5  }
0xd: {  	s28 =	sor.u32 $0x10, s13;
	s14 =	sor.u32 $0x20, s13;
	s15 =	sor.u32 $0x30, s13  }
0xe: {  	v7 =	vlaneseq.u32;
	s16 =	sor.u32 $0x40, s13;
	s17 =	sor.u32 $0x50, s13;
	s6 =	sor.u32 s26, s10  }
0xf: {  	s29 =	sor.u32 $0x60, s13;
	v1 =	vor.u32 s13, v7;
	s31 =	sor.u32 $0x70, s13;
	s7 =	smax.u32 s9, $0x1;
	v0 =	vor.u32 s28, v7  }
0x10: {  	s9 =	simm.s32 $0x2;
	s10 =	simm.s32 $0x80;
	s18 =	sshll.u32 s6, $0x7;
	v2 =	vor.u32 s14, v7;
	v3 =	vor.u32 s15, v7;
	v4 =	vor.u32 s16, v7  }
0x11: {  	s6 =	sadd.s32 $0x1800, s30;
	v5 =	vor.u32 s17, v7;
	v6 =	vor.u32 s29, v7;
	v7 =	vor.u32 s31, v7;
	s5 =	sadd.s32 s5, s18;
	s8 =	sadd.s32 s18, s8  }
.LBB2_1:
0x12: {  	s13 =	simm.s32 $0x0;
	s14 =	smov.u32 s8;
	s15 =	smov.u32 s4  }
.LBB2_2:
0x13: {  	p1 =	sne.s32 s15, $0x1  }
.Ltmp0:
0x14: {  	_ = 	snop;
	(pc) =	sbr.rel @p1 .LBB2_2-.Ltmp0, $4  }
0x15: {  	_ = 	snop  }
0x16: {  	s12 =	simm.s32 $0x0  }
0x17: {  	[tilespmem:s13], [sflag:$0x2] =	stream.linear.gather [hbm4b:s14+s12], $0x400, $0x38;
	[tilespmem:$0x5400] =	vst v63  }
0x18: {  	s15 =	sadd.s32 $0xFFFFFFFF, s15;
	s14 =	sadd.s32 $0x400, s14;
	s13 =	sadd.s32 $0x400, s13  }
0x19: {  	s13 =	simm.s32 $0x1C00;
	s14 =	simm.s32 $0x3800;
	s15 =	simm.s32 $0x40  }
.LBB2_4:
0x1a: {  	v9 =	vmov s15;
	_ =	sdelay $0x1  }
0x1b: {  	_ =	swait.ge [sflag:s9], $0x400  }
0x1c: {  	[sflag:s9] =	ssyncset.done $0x0  }
0x1d: {  	s18 =	simm.s32 $0x0;
	[sflag:s9] =	ssyncadd.s32 $0xFFFFFC00  }
0x1e: {  	v10 =	vld.idx.msk [tilespmem:v9+s18+$0xFFFFFFC0 ss:$0x1], $0xffff;
	_ =	sdelay $0x3  }
0x1f: {  	v8 =	vmov s13  }
0x20: {  	v11 =	vshll.u32 v10, $0x7  }
0x21: {  	v10 =	vshll.u32 v10, $0xA;
	v11 =	vand.u32 $0x380, v11  }
0x22: {  	v10 =	vand.u32 $0xFFFFE000, v10;
	v11 =	vor.u32 v11, v1  }
0x23: {  	v10 =	vor.u32 v10, v11  }
0x24: {  	[tilespmem:v8+s18+$0x0 ss:$0x1] =	vst.idx.msk $0xffff, v10  }
0x25: {  	v10 =	vld.idx.msk [tilespmem:v9+s18+$0xFFFFFFD0 ss:$0x1], $0xffff;
	_ =	sdelay $0x4  }
0x26: {  	v11 =	vshll.u32 v10, $0x7  }
0x27: {  	v10 =	vshll.u32 v10, $0xA;
	v11 =	vand.u32 $0x380, v11  }
0x28: {  	v10 =	vand.u32 $0xFFFFE000, v10;
	v11 =	vor.u32 v11, v0  }
0x29: {  	v10 =	vor.u32 v10, v11  }
0x2a: {  	[tilespmem:v8+s18+$0x10 ss:$0x1] =	vst.idx.msk $0xffff, v10  }
0x2b: {  	v10 =	vld.idx.msk [tilespmem:v9+s18+$0xFFFFFFE0 ss:$0x1], $0xffff;
	_ =	sdelay $0x4  }
0x2c: {  	v11 =	vshll.u32 v10, $0x7  }
0x2d: {  	v10 =	vshll.u32 v10, $0xA;
	v11 =	vand.u32 $0x380, v11  }
0x2e: {  	v10 =	vand.u32 $0xFFFFE000, v10;
	v11 =	vor.u32 v11, v2  }
0x2f: {  	v10 =	vor.u32 v10, v11  }
0x30: {  	[tilespmem:v8+s18+$0x20 ss:$0x1] =	vst.idx.msk $0xffff, v10  }
0x31: {  	v10 =	vld.idx.msk [tilespmem:v9+s18+$0xFFFFFFF0 ss:$0x1], $0xffff;
	_ =	sdelay $0x4  }
0x32: {  	v11 =	vshll.u32 v10, $0x7  }
0x33: {  	v10 =	vshll.u32 v10, $0xA;
	v11 =	vand.u32 $0x380, v11  }
0x34: {  	v10 =	vand.u32 $0xFFFFE000, v10;
	v11 =	vor.u32 v11, v3  }
0x35: {  	v10 =	vor.u32 v10, v11  }
0x36: {  	[tilespmem:v8+s18+$0x30 ss:$0x1] =	vst.idx.msk $0xffff, v10  }
0x37: {  	v10 =	vld.idx.msk [tilespmem:v9+s18+$0x0 ss:$0x1], $0xffff;
	_ =	sdelay $0x4  }
0x38: {  	v11 =	vshll.u32 v10, $0x7  }
0x39: {  	v10 =	vshll.u32 v10, $0xA;
	v11 =	vand.u32 $0x380, v11  }
0x3a: {  	v10 =	vand.u32 $0xFFFFE000, v10;
	v11 =	vor.u32 v11, v4  }
0x3b: {  	v10 =	vor.u32 v10, v11  }
0x3c: {  	[tilespmem:v8+s18+$0x40 ss:$0x1] =	vst.idx.msk $0xffff, v10  }
0x3d: {  	v10 =	vld.idx.msk [tilespmem:v9+s18+$0x10 ss:$0x1], $0xffff;
	_ =	sdelay $0x4  }
0x3e: {  	v11 =	vshll.u32 v10, $0x7  }
0x3f: {  	v10 =	vshll.u32 v10, $0xA;
	v11 =	vand.u32 $0x380, v11  }
0x40: {  	v10 =	vand.u32 $0xFFFFE000, v10;
	v11 =	vor.u32 v11, v5  }
0x41: {  	v10 =	vor.u32 v10, v11  }
0x42: {  	[tilespmem:v8+s18+$0x50 ss:$0x1] =	vst.idx.msk $0xffff, v10  }
0x43: {  	v10 =	vld.idx.msk [tilespmem:v9+s18+$0x20 ss:$0x1], $0xffff;
	_ =	sdelay $0x4  }
0x44: {  	v11 =	vshll.u32 v10, $0x7  }
0x45: {  	v10 =	vshll.u32 v10, $0xA;
	v11 =	vand.u32 $0x380, v11  }
0x46: {  	v10 =	vand.u32 $0xFFFFE000, v10;
	v11 =	vor.u32 v11, v6  }
0x47: {  	v10 =	vor.u32 v10, v11  }
0x48: {  	[tilespmem:v8+s18+$0x60 ss:$0x1] =	vst.idx.msk $0xffff, v10  }
0x49: {  	v10 =	vld.idx.msk [tilespmem:v9+s18+$0x30 ss:$0x1], $0xffff;
	_ =	sdelay $0x4  }
0x4a: {  	v11 =	vshll.u32 v10, $0x7  }
0x4b: {  	v10 =	vshll.u32 v10, $0xA;
	v11 =	vand.u32 $0x380, v11  }
0x4c: {  	v10 =	vand.u32 $0xFFFFE000, v10;
	v11 =	vor.u32 v11, v7  }
0x4d: {  	s16 =	simm.s32 $0x80;
	v10 =	vor.u32 v10, v11  }
0x4e: {  	s17 =	simm.s32 $0x400;
	s19 =	sadd.s32 $0x0, s13;
	s20 =	sadd.s32 $0x0, s14;
	[tilespmem:v8+s18+$0x70 ss:$0x1] =	vst.idx.msk $0xffff, v10  }
.LBB2_5:
0x4f: {  	[tilespmem:s20], [sflag:$0x1] =	stream.indirect.gather [hbm4b:s1+s10], $0x1, s19, s10, $0xb8;
	[tilespmem:$0x5400] =	vst v63  }
0x50: {  	s18 =	sshra.s32 s17, $0x2;
	p1 =	sne.s32 s17, $0xE00;
	s17 =	sadd.s32 $0x200, s17;
	v10 =	vld.idx.msk [tilespmem:v9+s16+$0xFFFFFFC0 ss:$0x1], $0xffff  }
0x51: {  	_ =	sdelay $0x4  }
0x52: {  	v11 =	vshll.u32 v10, $0xA;
	v10 =	vshll.u32 v10, $0x7  }
0x53: {  	v10 =	vand.u32 $0x380, v10  }
0x54: {  	v11 =	vand.u32 $0xFFFFE000, v11;
	v10 =	vor.u32 v10, v1  }
0x55: {  	v10 =	vor.u32 v11, v10  }
0x56: {  	[tilespmem:v8+s16+$0x0 ss:$0x1] =	vst.idx.msk $0xffff, v10  }
0x57: {  	v10 =	vld.idx.msk [tilespmem:v9+s16+$0xFFFFFFD0 ss:$0x1], $0xffff;
	_ =	sdelay $0x5  }
0x58: {  	v11 =	vshll.u32 v10, $0xA;
	v10 =	vshll.u32 v10, $0x7  }
0x59: {  	v10 =	vand.u32 $0x380, v10  }
0x5a: {  	v11 =	vand.u32 $0xFFFFE000, v11;
	v10 =	vor.u32 v10, v0  }
0x5b: {  	v10 =	vor.u32 v11, v10  }
0x5c: {  	[tilespmem:v8+s16+$0x10 ss:$0x1] =	vst.idx.msk $0xffff, v10  }
0x5d: {  	v10 =	vld.idx.msk [tilespmem:v9+s16+$0xFFFFFFE0 ss:$0x1], $0xffff;
	_ =	sdelay $0x5  }
0x5e: {  	v11 =	vshll.u32 v10, $0xA;
	v10 =	vshll.u32 v10, $0x7  }
0x5f: {  	v10 =	vand.u32 $0x380, v10  }
0x60: {  	v11 =	vand.u32 $0xFFFFE000, v11;
	v10 =	vor.u32 v10, v2  }
0x61: {  	v10 =	vor.u32 v11, v10  }
0x62: {  	[tilespmem:v8+s16+$0x20 ss:$0x1] =	vst.idx.msk $0xffff, v10  }
0x63: {  	v10 =	vld.idx.msk [tilespmem:v9+s16+$0xFFFFFFF0 ss:$0x1], $0xffff;
	_ =	sdelay $0x5  }
0x64: {  	v11 =	vshll.u32 v10, $0xA;
	v10 =	vshll.u32 v10, $0x7  }
0x65: {  	v10 =	vand.u32 $0x380, v10  }
0x66: {  	v11 =	vand.u32 $0xFFFFE000, v11;
	v10 =	vor.u32 v10, v3  }
0x67: {  	v10 =	vor.u32 v11, v10  }
0x68: {  	[tilespmem:v8+s16+$0x30 ss:$0x1] =	vst.idx.msk $0xffff, v10  }
0x69: {  	v10 =	vld.idx.msk [tilespmem:v9+s16+$0x0 ss:$0x1], $0xffff;
	_ =	sdelay $0x5  }
0x6a: {  	v11 =	vshll.u32 v10, $0xA;
	v10 =	vshll.u32 v10, $0x7  }
0x6b: {  	v10 =	vand.u32 $0x380, v10  }
0x6c: {  	v11 =	vand.u32 $0xFFFFE000, v11;
	v10 =	vor.u32 v10, v4  }
0x6d: {  	v10 =	vor.u32 v11, v10  }
0x6e: {  	[tilespmem:v8+s16+$0x40 ss:$0x1] =	vst.idx.msk $0xffff, v10  }
0x6f: {  	v10 =	vld.idx.msk [tilespmem:v9+s16+$0x10 ss:$0x1], $0xffff;
	_ =	sdelay $0x5  }
0x70: {  	v11 =	vshll.u32 v10, $0xA;
	v10 =	vshll.u32 v10, $0x7  }
0x71: {  	v10 =	vand.u32 $0x380, v10  }
0x72: {  	v11 =	vand.u32 $0xFFFFE000, v11;
	v10 =	vor.u32 v10, v5  }
0x73: {  	v10 =	vor.u32 v11, v10  }
0x74: {  	[tilespmem:v8+s16+$0x50 ss:$0x1] =	vst.idx.msk $0xffff, v10  }
0x75: {  	v10 =	vld.idx.msk [tilespmem:v9+s16+$0x20 ss:$0x1], $0xffff;
	_ =	sdelay $0x5  }
0x76: {  	v11 =	vshll.u32 v10, $0xA;
	v10 =	vshll.u32 v10, $0x7  }
0x77: {  	v10 =	vand.u32 $0x380, v10  }
0x78: {  	v11 =	vand.u32 $0xFFFFE000, v11;
	v10 =	vor.u32 v10, v6  }
0x79: {  	v10 =	vor.u32 v11, v10  }
0x7a: {  	[tilespmem:v8+s16+$0x60 ss:$0x1] =	vst.idx.msk $0xffff, v10  }
0x7b: {  	v10 =	vld.idx.msk [tilespmem:v9+s16+$0x30 ss:$0x1], $0xffff;
	_ =	sdelay $0x5  }
.Ltmp1:
0x7c: {  	v11 =	vshll.u32 v10, $0xA;
	v10 =	vshll.u32 v10, $0x7;
	(pc) =	sbr.rel @p1 .LBB2_5-.Ltmp1, $4  }
0x7d: {  	v10 =	vand.u32 $0x380, v10  }
0x7e: {  	v11 =	vand.u32 $0xFFFFE000, v11;
	v10 =	vor.u32 v10, v7  }
0x7f: {  	v10 =	vor.u32 v11, v10  }
0x80: {  	s19 =	sadd.s32 s16, s13;
	s20 =	sadd.s32 s16, s14;
	[tilespmem:v8+s16+$0x70 ss:$0x1] =	vst.idx.msk $0xffff, v10;
	s16 =	smov.u32 s18  }
0x81: {  	_ =	sdelay $0x2  }
0x82: {  	[tilespmem:s20], [sflag:$0x1] =	stream.indirect.gather [hbm4b:s1+s10], $0x1, s19, s10, $0xb8;
	[tilespmem:$0x5400] =	vst v63  }
0x83: {  	v10 =	vld.idx.msk [tilespmem:v9+s16+$0xFFFFFFC0 ss:$0x1], $0xffff;
	_ =	sdelay $0x4  }
0x84: {  	v11 =	vshll.u32 v10, $0x7  }
0x85: {  	v10 =	vshll.u32 v10, $0xA;
	v11 =	vand.u32 $0x380, v11  }
0x86: {  	v10 =	vand.u32 $0xFFFFE000, v10;
	v11 =	vor.u32 v11, v1  }
0x87: {  	v10 =	vor.u32 v10, v11  }
0x88: {  	[tilespmem:v8+s16+$0x0 ss:$0x1] =	vst.idx.msk $0xffff, v10  }
0x89: {  	v10 =	vld.idx.msk [tilespmem:v9+s16+$0xFFFFFFD0 ss:$0x1], $0xffff;
	_ =	sdelay $0x4  }
0x8a: {  	v56 =	vshll.u32 v10, $0x7  }
0x8b: {  	v10 =	vshll.u32 v10, $0xA;
	v11 =	vand.u32 $0x380, v56  }
0x8c: {  	v10 =	vand.u32 $0xFFFFE000, v10;
	v11 =	vor.u32 v11, v0  }
0x8d: {  	v10 =	vor.u32 v10, v11  }
0x8e: {  	[tilespmem:v8+s16+$0x10 ss:$0x1] =	vst.idx.msk $0xffff, v10  }
0x8f: {  	v10 =	vld.idx.msk [tilespmem:v9+s16+$0xFFFFFFE0 ss:$0x1], $0xffff;
	_ =	sdelay $0x4  }
0x90: {  	v57 =	vshll.u32 v10, $0x7  }
0x91: {  	v10 =	vshll.u32 v10, $0xA;
	v11 =	vand.u32 $0x380, v57  }
0x92: {  	v10 =	vand.u32 $0xFFFFE000, v10;
	v11 =	vor.u32 v11, v2  }
0x93: {  	v10 =	vor.u32 v10, v11  }
0x94: {  	[tilespmem:v8+s16+$0x20 ss:$0x1] =	vst.idx.msk $0xffff, v10  }
0x95: {  	v10 =	vld.idx.msk [tilespmem:v9+s16+$0xFFFFFFF0 ss:$0x1], $0xffff;
	_ =	sdelay $0x4  }
0x96: {  	v58 =	vshll.u32 v10, $0x7  }
0x97: {  	v10 =	vshll.u32 v10, $0xA;
	v11 =	vand.u32 $0x380, v58  }
0x98: {  	v10 =	vand.u32 $0xFFFFE000, v10;
	v11 =	vor.u32 v11, v3  }
0x99: {  	v10 =	vor.u32 v10, v11  }
0x9a: {  	[tilespmem:v8+s16+$0x30 ss:$0x1] =	vst.idx.msk $0xffff, v10  }
0x9b: {  	v10 =	vld.idx.msk [tilespmem:v9+s16+$0x0 ss:$0x1], $0xffff;
	_ =	sdelay $0x4  }
0x9c: {  	v59 =	vshll.u32 v10, $0x7  }
0x9d: {  	v10 =	vshll.u32 v10, $0xA;
	v11 =	vand.u32 $0x380, v59  }
0x9e: {  	v10 =	vand.u32 $0xFFFFE000, v10;
	v11 =	vor.u32 v11, v4  }
0x9f: {  	v10 =	vor.u32 v10, v11  }
0xa0: {  	[tilespmem:v8+s16+$0x40 ss:$0x1] =	vst.idx.msk $0xffff, v10  }
0xa1: {  	v10 =	vld.idx.msk [tilespmem:v9+s16+$0x10 ss:$0x1], $0xffff;
	_ =	sdelay $0x4  }
0xa2: {  	v60 =	vshll.u32 v10, $0x7  }
0xa3: {  	v10 =	vshll.u32 v10, $0xA;
	v11 =	vand.u32 $0x380, v60  }
0xa4: {  	v10 =	vand.u32 $0xFFFFE000, v10;
	v11 =	vor.u32 v11, v5  }
0xa5: {  	v10 =	vor.u32 v10, v11  }
0xa6: {  	[tilespmem:v8+s16+$0x50 ss:$0x1] =	vst.idx.msk $0xffff, v10  }
0xa7: {  	v10 =	vld.idx.msk [tilespmem:v9+s16+$0x20 ss:$0x1], $0xffff;
	_ =	sdelay $0x4  }
0xa8: {  	v61 =	vshll.u32 v10, $0x7  }
0xa9: {  	v10 =	vshll.u32 v10, $0xA;
	v11 =	vand.u32 $0x380, v61  }
0xaa: {  	v10 =	vand.u32 $0xFFFFE000, v10;
	v11 =	vor.u32 v11, v6  }
0xab: {  	v10 =	vor.u32 v10, v11  }
0xac: {  	[tilespmem:v8+s16+$0x60 ss:$0x1] =	vst.idx.msk $0xffff, v10  }
0xad: {  	v62 =	vld.idx.msk [tilespmem:v9+s16+$0x30 ss:$0x1], $0xffff;
	_ =	sdelay $0x3  }
0xae: {  	s12 =	sadd.s32 $0x1, s12  }
0xaf: {  	p1 =	sne.s32 s12, s4;
	v63 =	vshll.u32 v62, $0x7  }
.Ltmp2:
0xb0: {  	v9 =	vshll.u32 v62, $0xA;
	v10 =	vand.u32 $0x380, v63;
	(pc) =	sbr.rel @p1 .LBB2_4-.Ltmp2, $4  }
0xb1: {  	v9 =	vand.u32 $0xFFFFE000, v9;
	v10 =	vor.u32 v10, v7  }
0xb2: {  	s17 =	sadd.s32 s16, s13;
	s31 =	sadd.s32 s16, s14;
	v9 =	vor.u32 v9, v10  }
0xb3: {  	s13 =	sadd.s32 $0x400, s13;
	s14 =	sadd.s32 $0x400, s14;
	s15 =	sadd.s32 $0x400, s15;
	[tilespmem:v8+s16+$0x70 ss:$0x1] =	vst.idx.msk $0xffff, v9  }
0xb4: {  	[tilespmem:s31], [sflag:$0x1] =	stream.indirect.gather [hbm4b:s1+s10], $0x1, s17, s10, $0xb8;
	[tilespmem:$0x5400] =	vst v63  }
0xb5: {  	_ =	swait.ge [sflag:s11], $0x1800  }
0xb6: {  	s12 =	simm.s32 @p0 $0x400;
	[sflag:s11] =	ssyncset.done $0x0  }
0xb7: {  	s13 =	simm.s32 @p0 $0x2000;
	s14 =	simm.s32 @p0 $0x3800;
	[sflag:s11] =	ssyncadd.s32 $0xFFFFE800  }
0xb8: {  	[hbm4b:s5+s12] =	stream.strided.scatter @p0 [tilespmem:s14], [sflag:$0x3], $0x1800, s13, s12, $0x38;
	[tilespmem:$0x5400] =	vst v63  }
0xb9: {  	s12 =	simm.s32 @p0 $0x3  }
0xba: {  	_ =	swait.ge @p0 [sflag:s12], $0x1800  }
0xbb: {  	[sflag:s12] =	ssyncset.done @p0 $0x0  }
0xbc: {  	[sflag:s12] =	ssyncadd.s32 @p0 $0xFFFFE800;
	s12 =	simm.s32 @!p0 $0x1  }
0xbd: {  	_ =	swait.ge @!p0 [sflag:s12], $0x400  }
0xbe: {  	s13 =	simm.s32 @!p0 $0x2000;
	[sflag:s12] =	ssyncset.done @!p0 $0x0  }
0xbf: {  	s14 =	simm.s32 @!p0 $0x3800;
	[sflag:s12] =	ssyncadd.s32 @!p0 $0xFFFFFC00;
	s12 =	simm.s32 @!p0 $0x400  }
0xc0: {  	[hbm4b:s5+s12] =	stream.strided.scatter @!p0 [tilespmem:s14], [sflag:$0x3], $0x1800, s13, s12, $0x38;
	[tilespmem:$0x5400] =	vst v63  }
0xc1: {  	s12 =	simm.s32 @!p0 $0x3  }
0xc2: {  	s3 =	sadd.s32 $0x1, s3;
	_ =	swait.ge @!p0 [sflag:s12], $0x1800  }
0xc3: {  	p1 =	sne.s32 s3, s7;
	s13 =	simm.s32 @!p0 $0x0;
	[sflag:s12] =	ssyncset.done @!p0 $0x0  }
.Ltmp3:
0xc4: {  	s14 =	simm.s32 @!p0 $0x5000;
	[sflag:s12] =	ssyncadd.s32 @!p0 $0xFFFFE800;
	(pc) =	sbr.rel @p1 .LBB2_1-.Ltmp3, $4  }
0xc5: {  	[hbm4b:s6+s13] =	stream.linear.scatter @!p0 [tilespmem:s14], [sflag:$0x3], $0x400, $0x38;
	[tilespmem:$0x5400] =	vst v63  }
0xc6: {  	_ =	swait.ge @!p0 [sflag:s12], $0x400  }
0xc7: {  	[sflag:s12] =	ssyncset.done @!p0 $0x0  }
0xc8: {  	[sflag:s12] =	ssyncadd.s32 @!p0 $0xFFFFFC00  }
0xc9: {  	_ =	sfence.sel $0x180000  }
0xca: {  	[bflag:$0x0] =	sbarrier.arrive $0xFFFF  }
0xcb: {  	p0 =	sne.s32 s2, $0x0;
	_ =	strace $0x90000047  }
0xcc: {  	s0 =	sadd.s32 @!p0 $0x100000, s0;
	[bflag:$0x2] =	sbarrier.arrive $0xFFFF  }
0xcd: {  	[sflag:s0] =	ssyncadd.tile.s32 @!p0 $0x1;
	_ =	shalt  }
.Lfunc_end2:
_tile_overlayer_lowered:
.L_overlay_start_2:
0xce: {  	(tag) =	ssettag $0x2  }
0xcf: {  	s0 =	rddreg [dreg:$0x0];
	s2 =	stileid.u32  }
0xd0: {  	s1 =	rddreg [dreg:$0x1];
	p0 =	sne.s32 s2, $0x0  }
0xd1: {  	s3 =	rddreg [dreg:$0x2];
	[bflag:$0x3] =	sbarrier.arrive $0xFFFF;
	s2 =	simm.s32 @!p0 $0x1C03  }
0xd2: {  	[timem:s3], [sflag:s2] =	dma.local @!p0 [hbm:s0], s1  }
0xd3: {  	s0 =	simm.s32 @!p0 $0x3  }
0xd4: {  	_ =	swait.ge @!p0 [sflag:s0], s1  }
0xd5: {  	s1 =	ssub.s32 @!p0 $0x0, s1;
	[sflag:s0] =	ssyncset.done @!p0 $0x0  }
0xd6: {  	[sflag:s0] =	ssyncadd.s32 @!p0 s1  }
0xd7: {  	[bflag:$0x3] =	sbarrier.arrive $0xFFFF  }
0xd8: {  	_ =	shalt  }

</sc_bundles>
